<compile_context>
chip_gen: v7x
topology: tpu7x:2x2x1
jax: 0.10.2.dev20260603
libtpu: 0.0.44.dev20260713+nightly
codegen_flags: <defaults>
</compile_context>

<pallas_src>
import functools

import jax
import jax.numpy as jnp
from jax import lax
from jax.experimental import pallas as pl
from jax.experimental.pallas import tpu as pltpu
from jax.experimental.pallas import tpu_sc as plsc

VOCAB = 10000
EMBED_DIM = 128
OUTPUT_DIM = 64
HIST = 50
BATCH = 16384

NC = 2
NS = 16
LANES = 16
NW = NC * NS
RPW = BATCH // NW
IPW = RPW * HIST
GROUPS = RPW // LANES


def _tc_fold(emb_ref, w1_ref, b1_ref, w2_ref, b2_ref, v_ref):
    w = jnp.dot(w2_ref[...], w1_ref[...], preferred_element_type=jnp.float32)
    c = jnp.sum(w2_ref[...] * b1_ref[...]) + b2_ref[0, 0]
    v = lax.dot_general(w, emb_ref[...], (((1,), (1,)), ((), ())),
                        preferred_element_type=jnp.float32)
    v_ref[...] = (v * (1.0 / HIST) + c * (1.0 / HIST)).reshape(VOCAB)


def _sc_body(v_hbm, idxt_hbm, out_hbm, v_vmem, idxt_vmem, out_vmem, sem):
    wid = lax.axis_index("s") * NC + lax.axis_index("c")
    idx_dma = pltpu.async_copy(
        idxt_hbm.at[:, pl.ds(wid * RPW, RPW)], idxt_vmem, sem)
    pltpu.sync_copy(v_hbm, v_vmem)
    idx_dma.wait()

    @plsc.parallel_loop(0, GROUPS, 1, unroll=1)
    def _group(g):
        acc = jnp.zeros((LANES,), jnp.float32)
        for j in range(HIST):
            iv = idxt_vmem[j, pl.ds(g * LANES, LANES)]
            acc = acc + plsc.load_gather(v_vmem, [iv])
        out_vmem[pl.ds(g * LANES, LANES)] = acc
    pltpu.sync_copy(out_vmem, out_hbm.at[pl.ds(wid * RPW, RPW)])


_sc_kernel = functools.partial(
    pl.kernel,
    out_type=jax.ShapeDtypeStruct((BATCH,), jnp.float32),
    mesh=plsc.VectorSubcoreMesh(core_axis_name="c", subcore_axis_name="s"),
    scratch_types=[
        pltpu.VMEM((VOCAB,), jnp.float32),
        pltpu.VMEM((HIST, RPW), jnp.int32),
        pltpu.VMEM((RPW,), jnp.float32),
        pltpu.SemaphoreType.DMA,
    ],
    compiler_params=pltpu.CompilerParams(needs_layout_passes=False,
                                         skip_device_barrier=True),
)(_sc_body)


def kernel(input, emb_table, W1, b1, W2, b2):
    v = pl.pallas_call(
        _tc_fold,
        out_shape=jax.ShapeDtypeStruct((VOCAB,), jnp.float32),
    )(emb_table, W1, b1.reshape(1, OUTPUT_DIM), W2, b2.reshape(1, 1))
    out = _sc_kernel(v, input.T)
    return out.reshape(BATCH, 1)

# --- scband reference (transcript-rebuilt; emitter-appended) ---
"""Pipeline reference for scband-custom-model-embedding-bag-31808527794595 (READ-ONLY COPY).

The authoritative reference and input builder live on the scoring server;
editing this copy changes nothing except your own understanding.
"""

import jax, jax.numpy as jnp
import numpy as np

VOCAB = 10000
EMBED_DIM = 128
OUTPUT_DIM = 64
BATCH = 16384
HIST = 50

def setup_inputs(seed: int = 0) -> dict:
    key = jax.random.key(seed)
    k_idx, k_emb, k_w1, k_b1, k_w2, k_b2 = jax.random.split(key, 6)
    indices = jax.random.randint(k_idx, (BATCH, HIST), 0, VOCAB, dtype=jnp.int64 if jax.config.read('jax_enable_x64') else jnp.int32).astype(jnp.int32)
    emb_table = jax.random.normal(k_emb, (VOCAB, EMBED_DIM), dtype=jnp.float32)
    W1 = jax.random.normal(k_w1, (OUTPUT_DIM, EMBED_DIM), dtype=jnp.float32) * (1.0 / np.sqrt(EMBED_DIM))
    b1 = jax.random.normal(k_b1, (OUTPUT_DIM,), dtype=jnp.float32) * 0.01
    W2 = jax.random.normal(k_w2, (1, OUTPUT_DIM), dtype=jnp.float32) * (1.0 / np.sqrt(OUTPUT_DIM))
    b2 = jax.random.normal(k_b2, (1,), dtype=jnp.float32) * 0.01
    return {"input": indices, "emb_table": emb_table, "W1": W1, "b1": b1, "W2": W2, "b2": b2}

def reference(input, emb_table, W1, b1, W2, b2):
    # nn.EmbeddingBag with 2D input and default mode='mean': gather then mean over bag dim
    gathered = jnp.take(emb_table, input, axis=0)          # [B, L, D]
    embed = jnp.mean(gathered, axis=1)                      # [B, D]
    intermediate = embed @ W1.T + b1                        # [B, OUTPUT_DIM]
    output = intermediate @ W2.T + b2                       # [B, 1]
    return output

if __name__ == "__main__":
    import jax
    _d = setup_inputs()
    print(jax.jit(kernel)(*tuple(_d.values())))

</pallas_src>

<mosaic_0001>
#map = affine_map<(d0, d1) -> (0)>
#map1 = affine_map<(d0, d1) -> (0, 0)>
module attributes {stable_mosaic.version = 14 : i64} {
  func.func @_sc_body(%arg0: i32, %arg1: i32, %arg2: memref<10000xf32, #tpu.memory_space<hbm>>, %arg3: memref<50x16384xi32, #tpu.memory_space<hbm>>, %arg4: memref<16384xf32, #tpu.memory_space<hbm>>, %arg5: memref<10000xf32, #tpu.memory_space<vmem>>, %arg6: memref<50x512xi32, #tpu.memory_space<vmem>>, %arg7: memref<512xf32, #tpu.memory_space<vmem>>, %arg8: memref<!tpu.dma_semaphore, #tpu.memory_space<semaphore_mem>>) attributes {dimension_semantics = [#tpu.dimension_semantics<core_parallel>, #tpu.dimension_semantics<subcore_parallel>], iteration_bounds = array<i64: 2, 16>, scalar_prefetch = 0 : i64, scratch_operands = 4 : i64, tpu.core_type = #tpu.core_type<sc_vector_subcore>, window_params = [{transform_indices = #map}, {transform_indices = #map1}, {transform_indices = #map}]} {
    %mul3A = arith.constant 2 : i32
    %mul3A_0 = arith.muli %arg1, %mul3A : i32
    %add3A = arith.addi %mul3A_0, %arg0 : i32
    %mul3A_1 = arith.constant 512 : i32
    %mul3A_2 = arith.muli %add3A, %mul3A_1 : i32
    %dma_start3A = arith.constant 0 : i32
    %dma_start3A_3 = tpu.memref_slice %arg3[%dma_start3A, %mul3A_2] : memref<50x16384xi32, #tpu.memory_space<hbm>> -> memref<50x512xi32, #tpu.memory_space<hbm>>
    %dma_start3A_4 = arith.constant 0 : i32
    %dma_start3A_5 = tpu.memref_slice %arg3[%dma_start3A_4, %mul3A_2] : memref<50x16384xi32, #tpu.memory_space<hbm>> -> memref<50x512xi32, #tpu.memory_space<hbm>>
    tpu.enqueue_dma source(%dma_start3A_5 : memref<50x512xi32, #tpu.memory_space<hbm>>) target(%arg6 : memref<50x512xi32, #tpu.memory_space<vmem>>) target_semaphore(%arg8 : memref<!tpu.dma_semaphore, #tpu.memory_space<semaphore_mem>>)
    "tpu.region"() ({
      %run_scoped3A = tpu.sem_alloc : memref<!tpu.dma_semaphore, #tpu.memory_space<semaphore_mem>>
      tpu.enqueue_dma source(%arg2 : memref<10000xf32, #tpu.memory_space<hbm>>) target(%arg5 : memref<10000xf32, #tpu.memory_space<vmem>>) target_semaphore(%run_scoped3A : memref<!tpu.dma_semaphore, #tpu.memory_space<semaphore_mem>>)
      tpu.wait_dma2 semaphore(%run_scoped3A : memref<!tpu.dma_semaphore, #tpu.memory_space<semaphore_mem>>) src(%arg2 : memref<10000xf32, #tpu.memory_space<hbm>>) dst(%arg5 : memref<10000xf32, #tpu.memory_space<vmem>>)
      tpu.yield
    }) : () -> ()
    %dma_wait3A = arith.constant 0 : i32
    %dma_wait3A_6 = tpu.memref_slice %arg3[%dma_wait3A, %mul3A_2] : memref<50x16384xi32, #tpu.memory_space<hbm>> -> memref<50x512xi32, #tpu.memory_space<hbm>>
    %dma_wait3A_7 = arith.constant 0 : i32
    %dma_wait3A_8 = tpu.memref_slice %arg3[%dma_wait3A_7, %mul3A_2] : memref<50x16384xi32, #tpu.memory_space<hbm>> -> memref<50x512xi32, #tpu.memory_space<hbm>>
    tpu.wait_dma2 semaphore(%arg8 : memref<!tpu.dma_semaphore, #tpu.memory_space<semaphore_mem>>) src(%dma_wait3A_8 : memref<50x512xi32, #tpu.memory_space<hbm>>) dst(%arg6 : memref<50x512xi32, #tpu.memory_space<vmem>>)
    %parallel_loop3A = arith.constant 0 : i32
    %parallel_loop3A_9 = arith.constant 32 : i32
    %parallel_loop3A_10 = arith.constant 1 : i32
    scf.for %parallel_loop3A_13 = %parallel_loop3A to %parallel_loop3A_9 step %parallel_loop3A_10  : i32 {
      %parallel_loop3A_14 = arith.constant 0.000000e+00 : f32
      %parallel_loop3A_15 = vector.broadcast %parallel_loop3A_14 : f32 to vector<16xf32>
      %parallel_loop3A_16 = arith.constant 16 : i32
      %parallel_loop3A_17 = arith.muli %parallel_loop3A_13, %parallel_loop3A_16 : i32
      %parallel_loop3A_18 = arith.constant 0 : i32
      %parallel_loop3A_19 = arith.index_cast %parallel_loop3A_18 : i32 to index
      %parallel_loop3A_20 = arith.index_cast %parallel_loop3A_17 : i32 to index
      %parallel_loop3A_21 = tpu.vector_load %arg6[%parallel_loop3A_19, %parallel_loop3A_20] {strides = array<i32>} : memref<50x512xi32, #tpu.memory_space<vmem>>, vector<16xi32>,
      %parallel_loop3A_22 = tpu.vector_load_idx %arg5[%parallel_loop3A_21] : memref<10000xf32, #tpu.memory_space<vmem>>[vector<16xi32>], vector<16xf32>,
      %parallel_loop3A_23 = arith.addf %parallel_loop3A_15, %parallel_loop3A_22 : vector<16xf32>
      %parallel_loop3A_24 = arith.constant 16 : i32
      %parallel_loop3A_25 = arith.muli %parallel_loop3A_13, %parallel_loop3A_24 : i32
      %parallel_loop3A_26 = arith.constant 1 : i32
      %parallel_loop3A_27 = arith.index_cast %parallel_loop3A_26 : i32 to index
      %parallel_loop3A_28 = arith.index_cast %parallel_loop3A_25 : i32 to index
      %parallel_loop3A_29 = tpu.vector_load %arg6[%parallel_loop3A_27, %parallel_loop3A_28] {strides = array<i32>} : memref<50x512xi32, #tpu.memory_space<vmem>>, vector<16xi32>,
      %parallel_loop3A_30 = tpu.vector_load_idx %arg5[%parallel_loop3A_29] : memref<10000xf32, #tpu.memory_space<vmem>>[vector<16xi32>], vector<16xf32>,
      %parallel_loop3A_31 = arith.addf %parallel_loop3A_23, %parallel_loop3A_30 : vector<16xf32>
      %parallel_loop3A_32 = arith.constant 16 : i32
      %parallel_loop3A_33 = arith.muli %parallel_loop3A_13, %parallel_loop3A_32 : i32
      %parallel_loop3A_34 = arith.constant 2 : i32
      %parallel_loop3A_35 = arith.index_cast %parallel_loop3A_34 : i32 to index
      %parallel_loop3A_36 = arith.index_cast %parallel_loop3A_33 : i32 to index
      %parallel_loop3A_37 = tpu.vector_load %arg6[%parallel_loop3A_35, %parallel_loop3A_36] {strides = array<i32>} : memref<50x512xi32, #tpu.memory_space<vmem>>, vector<16xi32>,
      %parallel_loop3A_38 = tpu.vector_load_idx %arg5[%parallel_loop3A_37] : memref<10000xf32, #tpu.memory_space<vmem>>[vector<16xi32>], vector<16xf32>,
      %parallel_loop3A_39 = arith.addf %parallel_loop3A_31, %parallel_loop3A_38 : vector<16xf32>
      %parallel_loop3A_40 = arith.constant 16 : i32
      %parallel_loop3A_41 = arith.muli %parallel_loop3A_13, %parallel_loop3A_40 : i32
      %parallel_loop3A_42 = arith.constant 3 : i32
      %parallel_loop3A_43 = arith.index_cast %parallel_loop3A_42 : i32 to index
      %parallel_loop3A_44 = arith.index_cast %parallel_loop3A_41 : i32 to index
      %parallel_loop3A_45 = tpu.vector_load %arg6[%parallel_loop3A_43, %parallel_loop3A_44] {strides = array<i32>} : memref<50x512xi32, #tpu.memory_space<vmem>>, vector<16xi32>,
      %parallel_loop3A_46 = tpu.vector_load_idx %arg5[%parallel_loop3A_45] : memref<10000xf32, #tpu.memory_space<vmem>>[vector<16xi32>], vector<16xf32>,
      %parallel_loop3A_47 = arith.addf %parallel_loop3A_39, %parallel_loop3A_46 : vector<16xf32>
      %parallel_loop3A_48 = arith.constant 16 : i32
      %parallel_loop3A_49 = arith.muli %parallel_loop3A_13, %parallel_loop3A_48 : i32
      %parallel_loop3A_50 = arith.constant 4 : i32
      %parallel_loop3A_51 = arith.index_cast %parallel_loop3A_50 : i32 to index
      %parallel_loop3A_52 = arith.index_cast %parallel_loop3A_49 : i32 to index
      %parallel_loop3A_53 = tpu.vector_load %arg6[%parallel_loop3A_51, %parallel_loop3A_52] {strides = array<i32>} : memref<50x512xi32, #tpu.memory_space<vmem>>, vector<16xi32>,
      %parallel_loop3A_54 = tpu.vector_load_idx %arg5[%parallel_loop3A_53] : memref<10000xf32, #tpu.memory_space<vmem>>[vector<16xi32>], vector<16xf32>,
      %parallel_loop3A_55 = arith.addf %parallel_loop3A_47, %parallel_loop3A_54 : vector<16xf32>
      %parallel_loop3A_56 = arith.constant 16 : i32
      %parallel_loop3A_57 = arith.muli %parallel_loop3A_13, %parallel_loop3A_56 : i32
      %parallel_loop3A_58 = arith.constant 5 : i32
      %parallel_loop3A_59 = arith.index_cast %parallel_loop3A_58 : i32 to index
      %parallel_loop3A_60 = arith.index_cast %parallel_loop3A_57 : i32 to index
      %parallel_loop3A_61 = tpu.vector_load %arg6[%parallel_loop3A_59, %parallel_loop3A_60] {strides = array<i32>} : memref<50x512xi32, #tpu.memory_space<vmem>>, vector<16xi32>,
      %parallel_loop3A_62 = tpu.vector_load_idx %arg5[%parallel_loop3A_61] : memref<10000xf32, #tpu.memory_space<vmem>>[vector<16xi32>], vector<16xf32>,
      %parallel_loop3A_63 = arith.addf %parallel_loop3A_55, %parallel_loop3A_62 : vector<16xf32>
      %parallel_loop3A_64 = arith.constant 16 : i32
      %parallel_loop3A_65 = arith.muli %parallel_loop3A_13, %parallel_loop3A_64 : i32
      %parallel_loop3A_66 = arith.constant 6 : i32
      %parallel_loop3A_67 = arith.index_cast %parallel_loop3A_66 : i32 to index
      %parallel_loop3A_68 = arith.index_cast %parallel_loop3A_65 : i32 to index
      %parallel_loop3A_69 = tpu.vector_load %arg6[%parallel_loop3A_67, %parallel_loop3A_68] {strides = array<i32>} : memref<50x512xi32, #tpu.memory_space<vmem>>, vector<16xi32>,
      %parallel_loop3A_70 = tpu.vector_load_idx %arg5[%parallel_loop3A_69] : memref<10000xf32, #tpu.memory_space<vmem>>[vector<16xi32>], vector<16xf32>,
      %parallel_loop3A_71 = arith.addf %parallel_loop3A_63, %parallel_loop3A_70 : vector<16xf32>
      %parallel_loop3A_72 = arith.constant 16 : i32
      %parallel_loop3A_73 = arith.muli %parallel_loop3A_13, %parallel_loop3A_72 : i32
      %parallel_loop3A_74 = arith.constant 7 : i32
      %parallel_loop3A_75 = arith.index_cast %parallel_loop3A_74 : i32 to index
      %parallel_loop3A_76 = arith.index_cast %parallel_loop3A_73 : i32 to index
      %parallel_loop3A_77 = tpu.vector_load %arg6[%parallel_loop3A_75, %parallel_loop3A_76] {strides = array<i32>} : memref<50x512xi32, #tpu.memory_space<vmem>>, vector<16xi32>,
      %parallel_loop3A_78 = tpu.vector_load_idx %arg5[%parallel_loop3A_77] : memref<10000xf32, #tpu.memory_space<vmem>>[vector<16xi32>], vector<16xf32>,
      %parallel_loop3A_79 = arith.addf %parallel_loop3A_71, %parallel_loop3A_78 : vector<16xf32>
      %parallel_loop3A_80 = arith.constant 16 : i32
      %parallel_loop3A_81 = arith.muli %parallel_loop3A_13, %parallel_loop3A_80 : i32
      %parallel_loop3A_82 = arith.constant 8 : i32
      %parallel_loop3A_83 = arith.index_cast %parallel_loop3A_82 : i32 to index
      %parallel_loop3A_84 = arith.index_cast %parallel_loop3A_81 : i32 to index
      %parallel_loop3A_85 = tpu.vector_load %arg6[%parallel_loop3A_83, %parallel_loop3A_84] {strides = array<i32>} : memref<50x512xi32, #tpu.memory_space<vmem>>, vector<16xi32>,
      %parallel_loop3A_86 = tpu.vector_load_idx %arg5[%parallel_loop3A_85] : memref<10000xf32, #tpu.memory_space<vmem>>[vector<16xi32>], vector<16xf32>,
      %parallel_loop3A_87 = arith.addf %parallel_loop3A_79, %parallel_loop3A_86 : vector<16xf32>
      %parallel_loop3A_88 = arith.constant 16 : i32
      %parallel_loop3A_89 = arith.muli %parallel_loop3A_13, %parallel_loop3A_88 : i32
      %parallel_loop3A_90 = arith.constant 9 : i32
      %parallel_loop3A_91 = arith.index_cast %parallel_loop3A_90 : i32 to index
      %parallel_loop3A_92 = arith.index_cast %parallel_loop3A_89 : i32 to index
      %parallel_loop3A_93 = tpu.vector_load %arg6[%parallel_loop3A_91, %parallel_loop3A_92] {strides = array<i32>} : memref<50x512xi32, #tpu.memory_space<vmem>>, vector<16xi32>,
      %parallel_loop3A_94 = tpu.vector_load_idx %arg5[%parallel_loop3A_93] : memref<10000xf32, #tpu.memory_space<vmem>>[vector<16xi32>], vector<16xf32>,
      %parallel_loop3A_95 = arith.addf %parallel_loop3A_87, %parallel_loop3A_94 : vector<16xf32>
      %parallel_loop3A_96 = arith.constant 16 : i32
      %parallel_loop3A_97 = arith.muli %parallel_loop3A_13, %parallel_loop3A_96 : i32
      %parallel_loop3A_98 = arith.constant 10 : i32
      %parallel_loop3A_99 = arith.index_cast %parallel_loop3A_98 : i32 to index
      %parallel_loop3A_100 = arith.index_cast %parallel_loop3A_97 : i32 to index
      %parallel_loop3A_101 = tpu.vector_load %arg6[%parallel_loop3A_99, %parallel_loop3A_100] {strides = array<i32>} : memref<50x512xi32, #tpu.memory_space<vmem>>, vector<16xi32>,
      %parallel_loop3A_102 = tpu.vector_load_idx %arg5[%parallel_loop3A_101] : memref<10000xf32, #tpu.memory_space<vmem>>[vector<16xi32>], vector<16xf32>,
      %parallel_loop3A_103 = arith.addf %parallel_loop3A_95, %parallel_loop3A_102 : vector<16xf32>
      %parallel_loop3A_104 = arith.constant 16 : i32
      %parallel_loop3A_105 = arith.muli %parallel_loop3A_13, %parallel_loop3A_104 : i32
      %parallel_loop3A_106 = arith.constant 11 : i32
      %parallel_loop3A_107 = arith.index_cast %parallel_loop3A_106 : i32 to index
      %parallel_loop3A_108 = arith.index_cast %parallel_loop3A_105 : i32 to index
      %parallel_loop3A_109 = tpu.vector_load %arg6[%parallel_loop3A_107, %parallel_loop3A_108] {strides = array<i32>} : memref<50x512xi32, #tpu.memory_space<vmem>>, vector<16xi32>,
      %parallel_loop3A_110 = tpu.vector_load_idx %arg5[%parallel_loop3A_109] : memref<10000xf32, #tpu.memory_space<vmem>>[vector<16xi32>], vector<16xf32>,
      %parallel_loop3A_111 = arith.addf %parallel_loop3A_103, %parallel_loop3A_110 : vector<16xf32>
      %parallel_loop3A_112 = arith.constant 16 : i32
      %parallel_loop3A_113 = arith.muli %parallel_loop3A_13, %parallel_loop3A_112 : i32
      %parallel_loop3A_114 = arith.constant 12 : i32
      %parallel_loop3A_115 = arith.index_cast %parallel_loop3A_114 : i32 to index
      %parallel_loop3A_116 = arith.index_cast %parallel_loop3A_113 : i32 to index
      %parallel_loop3A_117 = tpu.vector_load %arg6[%parallel_loop3A_115, %parallel_loop3A_116] {strides = array<i32>} : memref<50x512xi32, #tpu.memory_space<vmem>>, vector<16xi32>,
      %parallel_loop3A_118 = tpu.vector_load_idx %arg5[%parallel_loop3A_117] : memref<10000xf32, #tpu.memory_space<vmem>>[vector<16xi32>], vector<16xf32>,
      %parallel_loop3A_119 = arith.addf %parallel_loop3A_111, %parallel_loop3A_118 : vector<16xf32>
      %parallel_loop3A_120 = arith.constant 16 : i32
      %parallel_loop3A_121 = arith.muli %parallel_loop3A_13, %parallel_loop3A_120 : i32
      %parallel_loop3A_122 = arith.constant 13 : i32
      %parallel_loop3A_123 = arith.index_cast %parallel_loop3A_122 : i32 to index
      %parallel_loop3A_124 = arith.index_cast %parallel_loop3A_121 : i32 to index
      %parallel_loop3A_125 = tpu.vector_load %arg6[%parallel_loop3A_123, %parallel_loop3A_124] {strides = array<i32>} : memref<50x512xi32, #tpu.memory_space<vmem>>, vector<16xi32>,
      %parallel_loop3A_126 = tpu.vector_load_idx %arg5[%parallel_loop3A_125] : memref<10000xf32, #tpu.memory_space<vmem>>[vector<16xi32>], vector<16xf32>,
      %parallel_loop3A_127 = arith.addf %parallel_loop3A_119, %parallel_loop3A_126 : vector<16xf32>
      %parallel_loop3A_128 = arith.constant 16 : i32
      %parallel_loop3A_129 = arith.muli %parallel_loop3A_13, %parallel_loop3A_128 : i32
      %parallel_loop3A_130 = arith.constant 14 : i32
      %parallel_loop3A_131 = arith.index_cast %parallel_loop3A_130 : i32 to index
      %parallel_loop3A_132 = arith.index_cast %parallel_loop3A_129 : i32 to index
      %parallel_loop3A_133 = tpu.vector_load %arg6[%parallel_loop3A_131, %parallel_loop3A_132] {strides = array<i32>} : memref<50x512xi32, #tpu.memory_space<vmem>>, vector<16xi32>,
      %parallel_loop3A_134 = tpu.vector_load_idx %arg5[%parallel_loop3A_133] : memref<10000xf32, #tpu.memory_space<vmem>>[vector<16xi32>], vector<16xf32>,
      %parallel_loop3A_135 = arith.addf %parallel_loop3A_127, %parallel_loop3A_134 : vector<16xf32>
      %parallel_loop3A_136 = arith.constant 16 : i32
      %parallel_loop3A_137 = arith.muli %parallel_loop3A_13, %parallel_loop3A_136 : i32
      %parallel_loop3A_138 = arith.constant 15 : i32
      %parallel_loop3A_139 = arith.index_cast %parallel_loop3A_138 : i32 to index
      %parallel_loop3A_140 = arith.index_cast %parallel_loop3A_137 : i32 to index
      %parallel_loop3A_141 = tpu.vector_load %arg6[%parallel_loop3A_139, %parallel_loop3A_140] {strides = array<i32>} : memref<50x512xi32, #tpu.memory_space<vmem>>, vector<16xi32>,
      %parallel_loop3A_142 = tpu.vector_load_idx %arg5[%parallel_loop3A_141] : memref<10000xf32, #tpu.memory_space<vmem>>[vector<16xi32>], vector<16xf32>,
      %parallel_loop3A_143 = arith.addf %parallel_loop3A_135, %parallel_loop3A_142 : vector<16xf32>
      %parallel_loop3A_144 = arith.constant 16 : i32
      %parallel_loop3A_145 = arith.muli %parallel_loop3A_13, %parallel_loop3A_144 : i32
      %parallel_loop3A_146 = arith.constant 16 : i32
      %parallel_loop3A_147 = arith.index_cast %parallel_loop3A_146 : i32 to index
      %parallel_loop3A_148 = arith.index_cast %parallel_loop3A_145 : i32 to index
      %parallel_loop3A_149 = tpu.vector_load %arg6[%parallel_loop3A_147, %parallel_loop3A_148] {strides = array<i32>} : memref<50x512xi32, #tpu.memory_space<vmem>>, vector<16xi32>,
      %parallel_loop3A_150 = tpu.vector_load_idx %arg5[%parallel_loop3A_149] : memref<10000xf32, #tpu.memory_space<vmem>>[vector<16xi32>], vector<16xf32>,
      %parallel_loop3A_151 = arith.addf %parallel_loop3A_143, %parallel_loop3A_150 : vector<16xf32>
      %parallel_loop3A_152 = arith.constant 16 : i32
      %parallel_loop3A_153 = arith.muli %parallel_loop3A_13, %parallel_loop3A_152 : i32
      %parallel_loop3A_154 = arith.constant 17 : i32
      %parallel_loop3A_155 = arith.index_cast %parallel_loop3A_154 : i32 to index
      %parallel_loop3A_156 = arith.index_cast %parallel_loop3A_153 : i32 to index
      %parallel_loop3A_157 = tpu.vector_load %arg6[%parallel_loop3A_155, %parallel_loop3A_156] {strides = array<i32>} : memref<50x512xi32, #tpu.memory_space<vmem>>, vector<16xi32>,
      %parallel_loop3A_158 = tpu.vector_load_idx %arg5[%parallel_loop3A_157] : memref<10000xf32, #tpu.memory_space<vmem>>[vector<16xi32>], vector<16xf32>,
      %parallel_loop3A_159 = arith.addf %parallel_loop3A_151, %parallel_loop3A_158 : vector<16xf32>
      %parallel_loop3A_160 = arith.constant 16 : i32
      %parallel_loop3A_161 = arith.muli %parallel_loop3A_13, %parallel_loop3A_160 : i32
      %parallel_loop3A_162 = arith.constant 18 : i32
      %parallel_loop3A_163 = arith.index_cast %parallel_loop3A_162 : i32 to index
      %parallel_loop3A_164 = arith.index_cast %parallel_loop3A_161 : i32 to index
      %parallel_loop3A_165 = tpu.vector_load %arg6[%parallel_loop3A_163, %parallel_loop3A_164] {strides = array<i32>} : memref<50x512xi32, #tpu.memory_space<vmem>>, vector<16xi32>,
      %parallel_loop3A_166 = tpu.vector_load_idx %arg5[%parallel_loop3A_165] : memref<10000xf32, #tpu.memory_space<vmem>>[vector<16xi32>], vector<16xf32>,
      %parallel_loop3A_167 = arith.addf %parallel_loop3A_159, %parallel_loop3A_166 : vector<16xf32>
      %parallel_loop3A_168 = arith.constant 16 : i32
      %parallel_loop3A_169 = arith.muli %parallel_loop3A_13, %parallel_loop3A_168 : i32
      %parallel_loop3A_170 = arith.constant 19 : i32
      %parallel_loop3A_171 = arith.index_cast %parallel_loop3A_170 : i32 to index
      %parallel_loop3A_172 = arith.index_cast %parallel_loop3A_169 : i32 to index
      %parallel_loop3A_173 = tpu.vector_load %arg6[%parallel_loop3A_171, %parallel_loop3A_172] {strides = array<i32>} : memref<50x512xi32, #tpu.memory_space<vmem>>, vector<16xi32>,
      %parallel_loop3A_174 = tpu.vector_load_idx %arg5[%parallel_loop3A_173] : memref<10000xf32, #tpu.memory_space<vmem>>[vector<16xi32>], vector<16xf32>,
      %parallel_loop3A_175 = arith.addf %parallel_loop3A_167, %parallel_loop3A_174 : vector<16xf32>
      %parallel_loop3A_176 = arith.constant 16 : i32
      %parallel_loop3A_177 = arith.muli %parallel_loop3A_13, %parallel_loop3A_176 : i32
      %parallel_loop3A_178 = arith.constant 20 : i32
      %parallel_loop3A_179 = arith.index_cast %parallel_loop3A_178 : i32 to index
      %parallel_loop3A_180 = arith.index_cast %parallel_loop3A_177 : i32 to index
      %parallel_loop3A_181 = tpu.vector_load %arg6[%parallel_loop3A_179, %parallel_loop3A_180] {strides = array<i32>} : memref<50x512xi32, #tpu.memory_space<vmem>>, vector<16xi32>,
      %parallel_loop3A_182 = tpu.vector_load_idx %arg5[%parallel_loop3A_181] : memref<10000xf32, #tpu.memory_space<vmem>>[vector<16xi32>], vector<16xf32>,
      %parallel_loop3A_183 = arith.addf %parallel_loop3A_175, %parallel_loop3A_182 : vector<16xf32>
      %parallel_loop3A_184 = arith.constant 16 : i32
      %parallel_loop3A_185 = arith.muli %parallel_loop3A_13, %parallel_loop3A_184 : i32
      %parallel_loop3A_186 = arith.constant 21 : i32
      %parallel_loop3A_187 = arith.index_cast %parallel_loop3A_186 : i32 to index
      %parallel_loop3A_188 = arith.index_cast %parallel_loop3A_185 : i32 to index
      %parallel_loop3A_189 = tpu.vector_load %arg6[%parallel_loop3A_187, %parallel_loop3A_188] {strides = array<i32>} : memref<50x512xi32, #tpu.memory_space<vmem>>, vector<16xi32>,
      %parallel_loop3A_190 = tpu.vector_load_idx %arg5[%parallel_loop3A_189] : memref<10000xf32, #tpu.memory_space<vmem>>[vector<16xi32>], vector<16xf32>,
      %parallel_loop3A_191 = arith.addf %parallel_loop3A_183, %parallel_loop3A_190 : vector<16xf32>
      %parallel_loop3A_192 = arith.constant 16 : i32
      %parallel_loop3A_193 = arith.muli %parallel_loop3A_13, %parallel_loop3A_192 : i32
      %parallel_loop3A_194 = arith.constant 22 : i32
      %parallel_loop3A_195 = arith.index_cast %parallel_loop3A_194 : i32 to index
      %parallel_loop3A_196 = arith.index_cast %parallel_loop3A_193 : i32 to index
      %parallel_loop3A_197 = tpu.vector_load %arg6[%parallel_loop3A_195, %parallel_loop3A_196] {strides = array<i32>} : memref<50x512xi32, #tpu.memory_space<vmem>>, vector<16xi32>,
      %parallel_loop3A_198 = tpu.vector_load_idx %arg5[%parallel_loop3A_197] : memref<10000xf32, #tpu.memory_space<vmem>>[vector<16xi32>], vector<16xf32>,
      %parallel_loop3A_199 = arith.addf %parallel_loop3A_191, %parallel_loop3A_198 : vector<16xf32>
      %parallel_loop3A_200 = arith.constant 16 : i32
      %parallel_loop3A_201 = arith.muli %parallel_loop3A_13, %parallel_loop3A_200 : i32
      %parallel_loop3A_202 = arith.constant 23 : i32
      %parallel_loop3A_203 = arith.index_cast %parallel_loop3A_202 : i32 to index
      %parallel_loop3A_204 = arith.index_cast %parallel_loop3A_201 : i32 to index
      %parallel_loop3A_205 = tpu.vector_load %arg6[%parallel_loop3A_203, %parallel_loop3A_204] {strides = array<i32>} : memref<50x512xi32, #tpu.memory_space<vmem>>, vector<16xi32>,
      %parallel_loop3A_206 = tpu.vector_load_idx %arg5[%parallel_loop3A_205] : memref<10000xf32, #tpu.memory_space<vmem>>[vector<16xi32>], vector<16xf32>,
      %parallel_loop3A_207 = arith.addf %parallel_loop3A_199, %parallel_loop3A_206 : vector<16xf32>
      %parallel_loop3A_208 = arith.constant 16 : i32
      %parallel_loop3A_209 = arith.muli %parallel_loop3A_13, %parallel_loop3A_208 : i32
      %parallel_loop3A_210 = arith.constant 24 : i32
      %parallel_loop3A_211 = arith.index_cast %parallel_loop3A_210 : i32 to index
      %parallel_loop3A_212 = arith.index_cast %parallel_loop3A_209 : i32 to index
      %parallel_loop3A_213 = tpu.vector_load %arg6[%parallel_loop3A_211, %parallel_loop3A_212] {strides = array<i32>} : memref<50x512xi32, #tpu.memory_space<vmem>>, vector<16xi32>,
      %parallel_loop3A_214 = tpu.vector_load_idx %arg5[%parallel_loop3A_213] : memref<10000xf32, #tpu.memory_space<vmem>>[vector<16xi32>], vector<16xf32>,
      %parallel_loop3A_215 = arith.addf %parallel_loop3A_207, %parallel_loop3A_214 : vector<16xf32>
      %parallel_loop3A_216 = arith.constant 16 : i32
      %parallel_loop3A_217 = arith.muli %parallel_loop3A_13, %parallel_loop3A_216 : i32
      %parallel_loop3A_218 = arith.constant 25 : i32
      %parallel_loop3A_219 = arith.index_cast %parallel_loop3A_218 : i32 to index
      %parallel_loop3A_220 = arith.index_cast %parallel_loop3A_217 : i32 to index
      %parallel_loop3A_221 = tpu.vector_load %arg6[%parallel_loop3A_219, %parallel_loop3A_220] {strides = array<i32>} : memref<50x512xi32, #tpu.memory_space<vmem>>, vector<16xi32>,
      %parallel_loop3A_222 = tpu.vector_load_idx %arg5[%parallel_loop3A_221] : memref<10000xf32, #tpu.memory_space<vmem>>[vector<16xi32>], vector<16xf32>,
      %parallel_loop3A_223 = arith.addf %parallel_loop3A_215, %parallel_loop3A_222 : vector<16xf32>
      %parallel_loop3A_224 = arith.constant 16 : i32
      %parallel_loop3A_225 = arith.muli %parallel_loop3A_13, %parallel_loop3A_224 : i32
      %parallel_loop3A_226 = arith.constant 26 : i32
      %parallel_loop3A_227 = arith.index_cast %parallel_loop3A_226 : i32 to index
      %parallel_loop3A_228 = arith.index_cast %parallel_loop3A_225 : i32 to index
      %parallel_loop3A_229 = tpu.vector_load %arg6[%parallel_loop3A_227, %parallel_loop3A_228] {strides = array<i32>} : memref<50x512xi32, #tpu.memory_space<vmem>>, vector<16xi32>,
      %parallel_loop3A_230 = tpu.vector_load_idx %arg5[%parallel_loop3A_229] : memref<10000xf32, #tpu.memory_space<vmem>>[vector<16xi32>], vector<16xf32>,
      %parallel_loop3A_231 = arith.addf %parallel_loop3A_223, %parallel_loop3A_230 : vector<16xf32>
      %parallel_loop3A_232 = arith.constant 16 : i32
      %parallel_loop3A_233 = arith.muli %parallel_loop3A_13, %parallel_loop3A_232 : i32
      %parallel_loop3A_234 = arith.constant 27 : i32
      %parallel_loop3A_235 = arith.index_cast %parallel_loop3A_234 : i32 to index
      %parallel_loop3A_236 = arith.index_cast %parallel_loop3A_233 : i32 to index
      %parallel_loop3A_237 = tpu.vector_load %arg6[%parallel_loop3A_235, %parallel_loop3A_236] {strides = array<i32>} : memref<50x512xi32, #tpu.memory_space<vmem>>, vector<16xi32>,
      %parallel_loop3A_238 = tpu.vector_load_idx %arg5[%parallel_loop3A_237] : memref<10000xf32, #tpu.memory_space<vmem>>[vector<16xi32>], vector<16xf32>,
      %parallel_loop3A_239 = arith.addf %parallel_loop3A_231, %parallel_loop3A_238 : vector<16xf32>
      %parallel_loop3A_240 = arith.constant 16 : i32
      %parallel_loop3A_241 = arith.muli %parallel_loop3A_13, %parallel_loop3A_240 : i32
      %parallel_loop3A_242 = arith.constant 28 : i32
      %parallel_loop3A_243 = arith.index_cast %parallel_loop3A_242 : i32 to index
      %parallel_loop3A_244 = arith.index_cast %parallel_loop3A_241 : i32 to index
      %parallel_loop3A_245 = tpu.vector_load %arg6[%parallel_loop3A_243, %parallel_loop3A_244] {strides = array<i32>} : memref<50x512xi32, #tpu.memory_space<vmem>>, vector<16xi32>,
      %parallel_loop3A_246 = tpu.vector_load_idx %arg5[%parallel_loop3A_245] : memref<10000xf32, #tpu.memory_space<vmem>>[vector<16xi32>], vector<16xf32>,
      %parallel_loop3A_247 = arith.addf %parallel_loop3A_239, %parallel_loop3A_246 : vector<16xf32>
      %parallel_loop3A_248 = arith.constant 16 : i32
      %parallel_loop3A_249 = arith.muli %parallel_loop3A_13, %parallel_loop3A_248 : i32
      %parallel_loop3A_250 = arith.constant 29 : i32
      %parallel_loop3A_251 = arith.index_cast %parallel_loop3A_250 : i32 to index
      %parallel_loop3A_252 = arith.index_cast %parallel_loop3A_249 : i32 to index
      %parallel_loop3A_253 = tpu.vector_load %arg6[%parallel_loop3A_251, %parallel_loop3A_252] {strides = array<i32>} : memref<50x512xi32, #tpu.memory_space<vmem>>, vector<16xi32>,
      %parallel_loop3A_254 = tpu.vector_load_idx %arg5[%parallel_loop3A_253] : memref<10000xf32, #tpu.memory_space<vmem>>[vector<16xi32>], vector<16xf32>,
      %parallel_loop3A_255 = arith.addf %parallel_loop3A_247, %parallel_loop3A_254 : vector<16xf32>
      %parallel_loop3A_256 = arith.constant 16 : i32
      %parallel_loop3A_257 = arith.muli %parallel_loop3A_13, %parallel_loop3A_256 : i32
      %parallel_loop3A_258 = arith.constant 30 : i32
      %parallel_loop3A_259 = arith.index_cast %parallel_loop3A_258 : i32 to index
      %parallel_loop3A_260 = arith.index_cast %parallel_loop3A_257 : i32 to index
      %parallel_loop3A_261 = tpu.vector_load %arg6[%parallel_loop3A_259, %parallel_loop3A_260] {strides = array<i32>} : memref<50x512xi32, #tpu.memory_space<vmem>>, vector<16xi32>,
      %parallel_loop3A_262 = tpu.vector_load_idx %arg5[%parallel_loop3A_261] : memref<10000xf32, #tpu.memory_space<vmem>>[vector<16xi32>], vector<16xf32>,
      %parallel_loop3A_263 = arith.addf %parallel_loop3A_255, %parallel_loop3A_262 : vector<16xf32>
      %parallel_loop3A_264 = arith.constant 16 : i32
      %parallel_loop3A_265 = arith.muli %parallel_loop3A_13, %parallel_loop3A_264 : i32
      %parallel_loop3A_266 = arith.constant 31 : i32
      %parallel_loop3A_267 = arith.index_cast %parallel_loop3A_266 : i32 to index
      %parallel_loop3A_268 = arith.index_cast %parallel_loop3A_265 : i32 to index
      %parallel_loop3A_269 = tpu.vector_load %arg6[%parallel_loop3A_267, %parallel_loop3A_268] {strides = array<i32>} : memref<50x512xi32, #tpu.memory_space<vmem>>, vector<16xi32>,
      %parallel_loop3A_270 = tpu.vector_load_idx %arg5[%parallel_loop3A_269] : memref<10000xf32, #tpu.memory_space<vmem>>[vector<16xi32>], vector<16xf32>,
      %parallel_loop3A_271 = arith.addf %parallel_loop3A_263, %parallel_loop3A_270 : vector<16xf32>
      %parallel_loop3A_272 = arith.constant 16 : i32
      %parallel_loop3A_273 = arith.muli %parallel_loop3A_13, %parallel_loop3A_272 : i32
      %parallel_loop3A_274 = arith.constant 32 : i32
      %parallel_loop3A_275 = arith.index_cast %parallel_loop3A_274 : i32 to index
      %parallel_loop3A_276 = arith.index_cast %parallel_loop3A_273 : i32 to index
      %parallel_loop3A_277 = tpu.vector_load %arg6[%parallel_loop3A_275, %parallel_loop3A_276] {strides = array<i32>} : memref<50x512xi32, #tpu.memory_space<vmem>>, vector<16xi32>,
      %parallel_loop3A_278 = tpu.vector_load_idx %arg5[%parallel_loop3A_277] : memref<10000xf32, #tpu.memory_space<vmem>>[vector<16xi32>], vector<16xf32>,
      %parallel_loop3A_279 = arith.addf %parallel_loop3A_271, %parallel_loop3A_278 : vector<16xf32>
      %parallel_loop3A_280 = arith.constant 16 : i32
      %parallel_loop3A_281 = arith.muli %parallel_loop3A_13, %parallel_loop3A_280 : i32
      %parallel_loop3A_282 = arith.constant 33 : i32
      %parallel_loop3A_283 = arith.index_cast %parallel_loop3A_282 : i32 to index
      %parallel_loop3A_284 = arith.index_cast %parallel_loop3A_281 : i32 to index
      %parallel_loop3A_285 = tpu.vector_load %arg6[%parallel_loop3A_283, %parallel_loop3A_284] {strides = array<i32>} : memref<50x512xi32, #tpu.memory_space<vmem>>, vector<16xi32>,
      %parallel_loop3A_286 = tpu.vector_load_idx %arg5[%parallel_loop3A_285] : memref<10000xf32, #tpu.memory_space<vmem>>[vector<16xi32>], vector<16xf32>,
      %parallel_loop3A_287 = arith.addf %parallel_loop3A_279, %parallel_loop3A_286 : vector<16xf32>
      %parallel_loop3A_288 = arith.constant 16 : i32
      %parallel_loop3A_289 = arith.muli %parallel_loop3A_13, %parallel_loop3A_288 : i32
      %parallel_loop3A_290 = arith.constant 34 : i32
      %parallel_loop3A_291 = arith.index_cast %parallel_loop3A_290 : i32 to index
      %parallel_loop3A_292 = arith.index_cast %parallel_loop3A_289 : i32 to index
      %parallel_loop3A_293 = tpu.vector_load %arg6[%parallel_loop3A_291, %parallel_loop3A_292] {strides = array<i32>} : memref<50x512xi32, #tpu.memory_space<vmem>>, vector<16xi32>,
      %parallel_loop3A_294 = tpu.vector_load_idx %arg5[%parallel_loop3A_293] : memref<10000xf32, #tpu.memory_space<vmem>>[vector<16xi32>], vector<16xf32>,
      %parallel_loop3A_295 = arith.addf %parallel_loop3A_287, %parallel_loop3A_294 : vector<16xf32>
      %parallel_loop3A_296 = arith.constant 16 : i32
      %parallel_loop3A_297 = arith.muli %parallel_loop3A_13, %parallel_loop3A_296 : i32
      %parallel_loop3A_298 = arith.constant 35 : i32
      %parallel_loop3A_299 = arith.index_cast %parallel_loop3A_298 : i32 to index
      %parallel_loop3A_300 = arith.index_cast %parallel_loop3A_297 : i32 to index
      %parallel_loop3A_301 = tpu.vector_load %arg6[%parallel_loop3A_299, %parallel_loop3A_300] {strides = array<i32>} : memref<50x512xi32, #tpu.memory_space<vmem>>, vector<16xi32>,
      %parallel_loop3A_302 = tpu.vector_load_idx %arg5[%parallel_loop3A_301] : memref<10000xf32, #tpu.memory_space<vmem>>[vector<16xi32>], vector<16xf32>,
      %parallel_loop3A_303 = arith.addf %parallel_loop3A_295, %parallel_loop3A_302 : vector<16xf32>
      %parallel_loop3A_304 = arith.constant 16 : i32
      %parallel_loop3A_305 = arith.muli %parallel_loop3A_13, %parallel_loop3A_304 : i32
      %parallel_loop3A_306 = arith.constant 36 : i32
      %parallel_loop3A_307 = arith.index_cast %parallel_loop3A_306 : i32 to index
      %parallel_loop3A_308 = arith.index_cast %parallel_loop3A_305 : i32 to index
      %parallel_loop3A_309 = tpu.vector_load %arg6[%parallel_loop3A_307, %parallel_loop3A_308] {strides = array<i32>} : memref<50x512xi32, #tpu.memory_space<vmem>>, vector<16xi32>,
      %parallel_loop3A_310 = tpu.vector_load_idx %arg5[%parallel_loop3A_309] : memref<10000xf32, #tpu.memory_space<vmem>>[vector<16xi32>], vector<16xf32>,
      %parallel_loop3A_311 = arith.addf %parallel_loop3A_303, %parallel_loop3A_310 : vector<16xf32>
      %parallel_loop3A_312 = arith.constant 16 : i32
      %parallel_loop3A_313 = arith.muli %parallel_loop3A_13, %parallel_loop3A_312 : i32
      %parallel_loop3A_314 = arith.constant 37 : i32
      %parallel_loop3A_315 = arith.index_cast %parallel_loop3A_314 : i32 to index
      %parallel_loop3A_316 = arith.index_cast %parallel_loop3A_313 : i32 to index
      %parallel_loop3A_317 = tpu.vector_load %arg6[%parallel_loop3A_315, %parallel_loop3A_316] {strides = array<i32>} : memref<50x512xi32, #tpu.memory_space<vmem>>, vector<16xi32>,
      %parallel_loop3A_318 = tpu.vector_load_idx %arg5[%parallel_loop3A_317] : memref<10000xf32, #tpu.memory_space<vmem>>[vector<16xi32>], vector<16xf32>,
      %parallel_loop3A_319 = arith.addf %parallel_loop3A_311, %parallel_loop3A_318 : vector<16xf32>
      %parallel_loop3A_320 = arith.constant 16 : i32
      %parallel_loop3A_321 = arith.muli %parallel_loop3A_13, %parallel_loop3A_320 : i32
      %parallel_loop3A_322 = arith.constant 38 : i32
      %parallel_loop3A_323 = arith.index_cast %parallel_loop3A_322 : i32 to index
      %parallel_loop3A_324 = arith.index_cast %parallel_loop3A_321 : i32 to index
      %parallel_loop3A_325 = tpu.vector_load %arg6[%parallel_loop3A_323, %parallel_loop3A_324] {strides = array<i32>} : memref<50x512xi32, #tpu.memory_space<vmem>>, vector<16xi32>,
      %parallel_loop3A_326 = tpu.vector_load_idx %arg5[%parallel_loop3A_325] : memref<10000xf32, #tpu.memory_space<vmem>>[vector<16xi32>], vector<16xf32>,
      %parallel_loop3A_327 = arith.addf %parallel_loop3A_319, %parallel_loop3A_326 : vector<16xf32>
      %parallel_loop3A_328 = arith.constant 16 : i32
      %parallel_loop3A_329 = arith.muli %parallel_loop3A_13, %parallel_loop3A_328 : i32
      %parallel_loop3A_330 = arith.constant 39 : i32
      %parallel_loop3A_331 = arith.index_cast %parallel_loop3A_330 : i32 to index
      %parallel_loop3A_332 = arith.index_cast %parallel_loop3A_329 : i32 to index
      %parallel_loop3A_333 = tpu.vector_load %arg6[%parallel_loop3A_331, %parallel_loop3A_332] {strides = array<i32>} : memref<50x512xi32, #tpu.memory_space<vmem>>, vector<16xi32>,
      %parallel_loop3A_334 = tpu.vector_load_idx %arg5[%parallel_loop3A_333] : memref<10000xf32, #tpu.memory_space<vmem>>[vector<16xi32>], vector<16xf32>,
      %parallel_loop3A_335 = arith.addf %parallel_loop3A_327, %parallel_loop3A_334 : vector<16xf32>
      %parallel_loop3A_336 = arith.constant 16 : i32
      %parallel_loop3A_337 = arith.muli %parallel_loop3A_13, %parallel_loop3A_336 : i32
      %parallel_loop3A_338 = arith.constant 40 : i32
      %parallel_loop3A_339 = arith.index_cast %parallel_loop3A_338 : i32 to index
      %parallel_loop3A_340 = arith.index_cast %parallel_loop3A_337 : i32 to index
      %parallel_loop3A_341 = tpu.vector_load %arg6[%parallel_loop3A_339, %parallel_loop3A_340] {strides = array<i32>} : memref<50x512xi32, #tpu.memory_space<vmem>>, vector<16xi32>,
      %parallel_loop3A_342 = tpu.vector_load_idx %arg5[%parallel_loop3A_341] : memref<10000xf32, #tpu.memory_space<vmem>>[vector<16xi32>], vector<16xf32>,
      %parallel_loop3A_343 = arith.addf %parallel_loop3A_335, %parallel_loop3A_342 : vector<16xf32>
      %parallel_loop3A_344 = arith.constant 16 : i32
      %parallel_loop3A_345 = arith.muli %parallel_loop3A_13, %parallel_loop3A_344 : i32
      %parallel_loop3A_346 = arith.constant 41 : i32
      %parallel_loop3A_347 = arith.index_cast %parallel_loop3A_346 : i32 to index
      %parallel_loop3A_348 = arith.index_cast %parallel_loop3A_345 : i32 to index
      %parallel_loop3A_349 = tpu.vector_load %arg6[%parallel_loop3A_347, %parallel_loop3A_348] {strides = array<i32>} : memref<50x512xi32, #tpu.memory_space<vmem>>, vector<16xi32>,
      %parallel_loop3A_350 = tpu.vector_load_idx %arg5[%parallel_loop3A_349] : memref<10000xf32, #tpu.memory_space<vmem>>[vector<16xi32>], vector<16xf32>,
      %parallel_loop3A_351 = arith.addf %parallel_loop3A_343, %parallel_loop3A_350 : vector<16xf32>
      %parallel_loop3A_352 = arith.constant 16 : i32
      %parallel_loop3A_353 = arith.muli %parallel_loop3A_13, %parallel_loop3A_352 : i32
      %parallel_loop3A_354 = arith.constant 42 : i32
      %parallel_loop3A_355 = arith.index_cast %parallel_loop3A_354 : i32 to index
      %parallel_loop3A_356 = arith.index_cast %parallel_loop3A_353 : i32 to index
      %parallel_loop3A_357 = tpu.vector_load %arg6[%parallel_loop3A_355, %parallel_loop3A_356] {strides = array<i32>} : memref<50x512xi32, #tpu.memory_space<vmem>>, vector<16xi32>,
      %parallel_loop3A_358 = tpu.vector_load_idx %arg5[%parallel_loop3A_357] : memref<10000xf32, #tpu.memory_space<vmem>>[vector<16xi32>], vector<16xf32>,
      %parallel_loop3A_359 = arith.addf %parallel_loop3A_351, %parallel_loop3A_358 : vector<16xf32>
      %parallel_loop3A_360 = arith.constant 16 : i32
      %parallel_loop3A_361 = arith.muli %parallel_loop3A_13, %parallel_loop3A_360 : i32
      %parallel_loop3A_362 = arith.constant 43 : i32
      %parallel_loop3A_363 = arith.index_cast %parallel_loop3A_362 : i32 to index
      %parallel_loop3A_364 = arith.index_cast %parallel_loop3A_361 : i32 to index
      %parallel_loop3A_365 = tpu.vector_load %arg6[%parallel_loop3A_363, %parallel_loop3A_364] {strides = array<i32>} : memref<50x512xi32, #tpu.memory_space<vmem>>, vector<16xi32>,
      %parallel_loop3A_366 = tpu.vector_load_idx %arg5[%parallel_loop3A_365] : memref<10000xf32, #tpu.memory_space<vmem>>[vector<16xi32>], vector<16xf32>,
      %parallel_loop3A_367 = arith.addf %parallel_loop3A_359, %parallel_loop3A_366 : vector<16xf32>
      %parallel_loop3A_368 = arith.constant 16 : i32
      %parallel_loop3A_369 = arith.muli %parallel_loop3A_13, %parallel_loop3A_368 : i32
      %parallel_loop3A_370 = arith.constant 44 : i32
      %parallel_loop3A_371 = arith.index_cast %parallel_loop3A_370 : i32 to index
      %parallel_loop3A_372 = arith.index_cast %parallel_loop3A_369 : i32 to index
      %parallel_loop3A_373 = tpu.vector_load %arg6[%parallel_loop3A_371, %parallel_loop3A_372] {strides = array<i32>} : memref<50x512xi32, #tpu.memory_space<vmem>>, vector<16xi32>,
      %parallel_loop3A_374 = tpu.vector_load_idx %arg5[%parallel_loop3A_373] : memref<10000xf32, #tpu.memory_space<vmem>>[vector<16xi32>], vector<16xf32>,
      %parallel_loop3A_375 = arith.addf %parallel_loop3A_367, %parallel_loop3A_374 : vector<16xf32>
      %parallel_loop3A_376 = arith.constant 16 : i32
      %parallel_loop3A_377 = arith.muli %parallel_loop3A_13, %parallel_loop3A_376 : i32
      %parallel_loop3A_378 = arith.constant 45 : i32
      %parallel_loop3A_379 = arith.index_cast %parallel_loop3A_378 : i32 to index
      %parallel_loop3A_380 = arith.index_cast %parallel_loop3A_377 : i32 to index
      %parallel_loop3A_381 = tpu.vector_load %arg6[%parallel_loop3A_379, %parallel_loop3A_380] {strides = array<i32>} : memref<50x512xi32, #tpu.memory_space<vmem>>, vector<16xi32>,
      %parallel_loop3A_382 = tpu.vector_load_idx %arg5[%parallel_loop3A_381] : memref<10000xf32, #tpu.memory_space<vmem>>[vector<16xi32>], vector<16xf32>,
      %parallel_loop3A_383 = arith.addf %parallel_loop3A_375, %parallel_loop3A_382 : vector<16xf32>
      %parallel_loop3A_384 = arith.constant 16 : i32
      %parallel_loop3A_385 = arith.muli %parallel_loop3A_13, %parallel_loop3A_384 : i32
      %parallel_loop3A_386 = arith.constant 46 : i32
      %parallel_loop3A_387 = arith.index_cast %parallel_loop3A_386 : i32 to index
      %parallel_loop3A_388 = arith.index_cast %parallel_loop3A_385 : i32 to index
      %parallel_loop3A_389 = tpu.vector_load %arg6[%parallel_loop3A_387, %parallel_loop3A_388] {strides = array<i32>} : memref<50x512xi32, #tpu.memory_space<vmem>>, vector<16xi32>,
      %parallel_loop3A_390 = tpu.vector_load_idx %arg5[%parallel_loop3A_389] : memref<10000xf32, #tpu.memory_space<vmem>>[vector<16xi32>], vector<16xf32>,
      %parallel_loop3A_391 = arith.addf %parallel_loop3A_383, %parallel_loop3A_390 : vector<16xf32>
      %parallel_loop3A_392 = arith.constant 16 : i32
      %parallel_loop3A_393 = arith.muli %parallel_loop3A_13, %parallel_loop3A_392 : i32
      %parallel_loop3A_394 = arith.constant 47 : i32
      %parallel_loop3A_395 = arith.index_cast %parallel_loop3A_394 : i32 to index
      %parallel_loop3A_396 = arith.index_cast %parallel_loop3A_393 : i32 to index
      %parallel_loop3A_397 = tpu.vector_load %arg6[%parallel_loop3A_395, %parallel_loop3A_396] {strides = array<i32>} : memref<50x512xi32, #tpu.memory_space<vmem>>, vector<16xi32>,
      %parallel_loop3A_398 = tpu.vector_load_idx %arg5[%parallel_loop3A_397] : memref<10000xf32, #tpu.memory_space<vmem>>[vector<16xi32>], vector<16xf32>,
      %parallel_loop3A_399 = arith.addf %parallel_loop3A_391, %parallel_loop3A_398 : vector<16xf32>
      %parallel_loop3A_400 = arith.constant 16 : i32
      %parallel_loop3A_401 = arith.muli %parallel_loop3A_13, %parallel_loop3A_400 : i32
      %parallel_loop3A_402 = arith.constant 48 : i32
      %parallel_loop3A_403 = arith.index_cast %parallel_loop3A_402 : i32 to index
      %parallel_loop3A_404 = arith.index_cast %parallel_loop3A_401 : i32 to index
      %parallel_loop3A_405 = tpu.vector_load %arg6[%parallel_loop3A_403, %parallel_loop3A_404] {strides = array<i32>} : memref<50x512xi32, #tpu.memory_space<vmem>>, vector<16xi32>,
      %parallel_loop3A_406 = tpu.vector_load_idx %arg5[%parallel_loop3A_405] : memref<10000xf32, #tpu.memory_space<vmem>>[vector<16xi32>], vector<16xf32>,
      %parallel_loop3A_407 = arith.addf %parallel_loop3A_399, %parallel_loop3A_406 : vector<16xf32>
      %parallel_loop3A_408 = arith.constant 16 : i32
      %parallel_loop3A_409 = arith.muli %parallel_loop3A_13, %parallel_loop3A_408 : i32
      %parallel_loop3A_410 = arith.constant 49 : i32
      %parallel_loop3A_411 = arith.index_cast %parallel_loop3A_410 : i32 to index
      %parallel_loop3A_412 = arith.index_cast %parallel_loop3A_409 : i32 to index
      %parallel_loop3A_413 = tpu.vector_load %arg6[%parallel_loop3A_411, %parallel_loop3A_412] {strides = array<i32>} : memref<50x512xi32, #tpu.memory_space<vmem>>, vector<16xi32>,
      %parallel_loop3A_414 = tpu.vector_load_idx %arg5[%parallel_loop3A_413] : memref<10000xf32, #tpu.memory_space<vmem>>[vector<16xi32>], vector<16xf32>,
      %parallel_loop3A_415 = arith.addf %parallel_loop3A_407, %parallel_loop3A_414 : vector<16xf32>
      %parallel_loop3A_416 = arith.constant 16 : i32
      %parallel_loop3A_417 = arith.muli %parallel_loop3A_13, %parallel_loop3A_416 : i32
      %parallel_loop3A_418 = arith.index_cast %parallel_loop3A_417 : i32 to index
      %parallel_loop3A_419 = tpu.vector_load %arg7[%parallel_loop3A_418] {strides = array<i32>} : memref<512xf32, #tpu.memory_space<vmem>>, vector<16xf32>,
      tpu.vector_store %arg7[%parallel_loop3A_418], %parallel_loop3A_415 {strides = array<i32>} : memref<512xf32, #tpu.memory_space<vmem>>, vector<16xf32>,
    } {sc.loop_unroll_factor = 1 : i64, sc.parallel_access}
    %mul3A_11 = arith.constant 512 : i32
    %mul3A_12 = arith.muli %add3A, %mul3A_11 : i32
    "tpu.region"() ({
      %run_scoped3A = tpu.sem_alloc : memref<!tpu.dma_semaphore, #tpu.memory_space<semaphore_mem>>
      %dma_start3A_13 = tpu.memref_slice %arg4[%mul3A_12] : memref<16384xf32, #tpu.memory_space<hbm>> -> memref<512xf32, #tpu.memory_space<hbm>>
      %dma_start3A_14 = tpu.memref_slice %arg4[%mul3A_12] : memref<16384xf32, #tpu.memory_space<hbm>> -> memref<512xf32, #tpu.memory_space<hbm>>
      tpu.enqueue_dma source(%arg7 : memref<512xf32, #tpu.memory_space<vmem>>) target(%dma_start3A_14 : memref<512xf32, #tpu.memory_space<hbm>>) target_semaphore(%run_scoped3A : memref<!tpu.dma_semaphore, #tpu.memory_space<semaphore_mem>>)
      %dma_wait3A_15 = tpu.memref_slice %arg4[%mul3A_12] : memref<16384xf32, #tpu.memory_space<hbm>> -> memref<512xf32, #tpu.memory_space<hbm>>
      %dma_wait3A_16 = tpu.memref_slice %arg4[%mul3A_12] : memref<16384xf32, #tpu.memory_space<hbm>> -> memref<512xf32, #tpu.memory_space<hbm>>
      tpu.wait_dma2 semaphore(%run_scoped3A : memref<!tpu.dma_semaphore, #tpu.memory_space<semaphore_mem>>) src(%arg7 : memref<512xf32, #tpu.memory_space<vmem>>) dst(%dma_wait3A_16 : memref<512xf32, #tpu.memory_space<hbm>>)
      tpu.yield
    }) : () -> ()
    return
  }
}

module attributes {stable_mosaic.version = 14 : i64} {
  func.func @_tc_fold(%arg0: memref<10000x128xf32, #tpu.memory_space<vmem>>, %arg1: memref<64x128xf32, #tpu.memory_space<vmem>>, %arg2: memref<1x64xf32, #tpu.memory_space<vmem>>, %arg3: memref<1x64xf32, #tpu.memory_space<vmem>>, %arg4: memref<1x1xf32, #tpu.memory_space<vmem>>, %arg5: memref<10000xf32, #tpu.memory_space<vmem>>) attributes {dimension_semantics = [], scalar_prefetch = 0 : i64, scratch_operands = 0 : i64, tpu.core_type = #tpu.core_type<tc>} {
    %get3A = arith.constant 0 : index
    %get3A_0 = arith.constant 0 : index
    %get3A_1 = vector.load %arg3[%get3A, %get3A_0] : memref<1x64xf32, #tpu.memory_space<vmem>>, vector<1x64xf32>
    %get3A_2 = arith.constant 0 : index
    %get3A_3 = arith.constant 0 : index
    %get3A_4 = vector.load %arg1[%get3A_2, %get3A_3] : memref<64x128xf32, #tpu.memory_space<vmem>>, vector<64x128xf32>
    %dot_general3A = arith.constant dense<0.000000e+00> : vector<1x128xf32>
    %dot_general3A_5 = tpu.matmul %get3A_1, %get3A_4, %dot_general3A {dimension_numbers = #tpu.dot_dimension_numbers<[1], [0], [0], [1], [0, 0, 1, 1], [], []>, transpose_lhs_hint = false} : vector<1x64xf32>, vector<64x128xf32>, vector<1x128xf32> -> vector<1x128xf32>
    %get3A_6 = arith.constant 0 : index
    %get3A_7 = arith.constant 0 : index
    %get3A_8 = vector.load %arg3[%get3A_6, %get3A_7] : memref<1x64xf32, #tpu.memory_space<vmem>>, vector<1x64xf32>
    %get3A_9 = arith.constant 0 : index
    %get3A_10 = arith.constant 0 : index
    %get3A_11 = vector.load %arg2[%get3A_9, %get3A_10] : memref<1x64xf32, #tpu.memory_space<vmem>>, vector<1x64xf32>
    %mul3A = arith.mulf %get3A_8, %get3A_11 : vector<1x64xf32>
    %reduce_sum3A = vector.shape_cast %mul3A : vector<1x64xf32> to vector<1x1x64xf32>
    %reduce_sum3A_12 = arith.constant dense<0.000000e+00> : vector<1xf32>
    %reduce_sum3A_13 = vector.multi_reduction <add>, %reduce_sum3A, %reduce_sum3A_12 [1, 2] : vector<1x1x64xf32> to vector<1xf32>
    %reduce_sum3A_14 = vector.shape_cast %reduce_sum3A_13 : vector<1xf32> to vector<1x1x1xf32>
    %reduce_sum3A_15 = vector.extract %reduce_sum3A_14[0, 0, 0] : f32 from vector<1x1x1xf32>
    %get3A_16 = arith.constant 0 : index
    %get3A_17 = arith.constant 0 : index
    %get3A_18 = vector.load %arg4[%get3A_16, %get3A_17] : memref<1x1xf32, #tpu.memory_space<vmem>>, vector<1x1xf32>
    %get3A_19 = vector.extract %get3A_18[0, 0] : f32 from vector<1x1xf32>
    %add3A = arith.addf %reduce_sum3A_15, %get3A_19 : f32
    %get3A_20 = arith.constant 0 : index
    %get3A_21 = arith.constant 0 : index
    %get3A_22 = vector.load %arg0[%get3A_20, %get3A_21] : memref<10000x128xf32, #tpu.memory_space<vmem>>, vector<10000x128xf32>
    %dot_general3A_23 = arith.constant dense<0.000000e+00> : vector<1x10000xf32>
    %dot_general3A_24 = tpu.matmul %dot_general3A_5, %get3A_22, %dot_general3A_23 {dimension_numbers = #tpu.dot_dimension_numbers<[1], [1], [0], [0], [0, 0, 1, 0], [], []>, transpose_lhs_hint = false} : vector<1x128xf32>, vector<10000x128xf32>, vector<1x10000xf32> -> vector<1x10000xf32>
    %mul3A_25 = arith.constant 2.000000e-02 : f32
    %mul3A_26 = vector.broadcast %mul3A_25 : f32 to vector<1x10000xf32>
    %mul3A_27 = arith.mulf %dot_general3A_24, %mul3A_26 : vector<1x10000xf32>
    %mul3A_28 = arith.constant 2.000000e-02 : f32
    %mul3A_29 = arith.mulf %add3A, %mul3A_28 : f32
    %add3A_30 = vector.broadcast %mul3A_29 : f32 to vector<1x10000xf32>
    %add3A_31 = arith.addf %mul3A_27, %add3A_30 : vector<1x10000xf32>
    %reshape3A = vector.shape_cast %add3A_31 : vector<1x10000xf32> to vector<10000xf32>
    %swap3A = arith.constant 0 : index
    %swap3A_32 = vector.load %arg5[%swap3A] : memref<10000xf32, #tpu.memory_space<vmem>>, vector<10000xf32>
    tpu.vector_store %arg5[%swap3A], %reshape3A {strides = array<i32>} : memref<10000xf32, #tpu.memory_space<vmem>>, vector<10000xf32>,
    return
  }
}

</mosaic_0001>

<sc_bundles>
// kernel: kernel.4.cloned.1.call-start
scs
__scs_entry_jumppad:
0x0: {  	(pc) =	sbr.rel $0x88, $3  }
0x1: {  	(tag) =	ssettag $0x0;
	lr =	simm.s32 $0x1  }
0x2: {  	[smem:$0x3F9B] =	sst lr;
	_ =	strace $0xD0000000  }
0x3: {  	_ = 	snop  }
0x4: {  	_ = 	snop  }
0x5: {  	_ = 	snop  }
0x6: {  	_ = 	snop  }
0x7: {  	_ = 	snop  }
__scs_overlays_trampoline_lowered:
0x8: {  	[smem:$0x3FAA] =	sst s0  }
0x9: {  	[smem:$0x3FAB] =	sst s1  }
0xa: {  	[smem:$0x3FAC] =	sst s2  }
0xb: {  	[smem:$0x3FAD] =	sst s3  }
0xc: {  	[smem:$0x3FAE] =	sst s4  }
0xd: {  	[smem:$0x3FAF] =	sst s5  }
0xe: {  	[smem:$0x3FB0] =	sst s6  }
0xf: {  	[smem:$0x3FB1] =	sst s7  }
0x10: {  	[smem:$0x3FB2] =	sst s8  }
0x11: {  	[smem:$0x3FB3] =	sst s9;
	s0 =	simm.s32 @!p0 $0x0  }
0x12: {  	s1 =	sld [smem:$0x3F99];
	s0 =	simm.s32 @p0 $0x1  }
0x13: {  	[smem:$0x3FB4] =	sst s0;
	s0 =	simm.s32 @!p1 $0x0  }
0x14: {  	s2 =	sld [smem:$0x3F98];
	s0 =	simm.s32 @p1 $0x1  }
0x15: {  	[smem:$0x3FB5] =	sst s0;
	s0 =	simm.s32 @!p2 $0x0  }
0x16: {  	s3 =	sld [smem:$0x3FDB];
	s0 =	simm.s32 @p2 $0x1  }
0x17: {  	s4 =	simm.s32 $0x1BF5;
	[smem:$0x3FB7] =	sst s0  }
0x18: {  	s0 =	sld [smem:$0x3F9A];
	_ =	swait.ge [sflag:s4], $0x0  }
0x19: {  	s7 =	sld [smem:$0x3F9B]  }
0x1a: {  	s8 =	sadd.s32 $0xFFFFE003, lr  }
0x1b: {  	s9 =	sadd.s32 $0xFFFFFEF7, lr;
	s5 =	simm.s32 $0xFFFFFFFF;
	p2 =	slt.u32 s8, $0xFFFFF086  }
0x1c: {  	p1 =	slt.u32 s9, $0xF7A;
	s5 =	simm.s32 @!p2 $0x0  }
0x1d: {  	s5 =	simm.s32 @p1 $0x1;
	p0 =	seq.s32 s7, s2  }
0x1e: {  	s7 =	smul.u32 @!p0 $0xF7A, s2;
	p2 =	seq.s32 @!p0 s5, $0x0  }
0x1f: {  	s9 =	smul.u32 $0xF7A, s1;
	s8 =	simm.s32 @!p0 $0x1BF5;
	p2 =	por !p2, p0  }
0x20: {  	[sflag:s8] =	ssyncset.s32 @!p0 $0xFFFFF086;
	s6 =	sadd.s32 @!p0 s3, s7;
	s7 =	simm.s32 @!p0 $0x108  }
0x21: {  	s3 =	sadd.s32 s3, s9;
	s6 =	sadd.s32 @!p0 $0x88, s6;
	s7 =	simm.s32 @p2 $0x1082  }
0x22: {  	[simem:s7], [sflag:s8] =	dma.local @!p0 [hbm:s6], $0xF7A  }
0x23: {  	s9 =	sor.u32 $0xD0000000, s2;
	s6 =	simm.s32 $0x108;
	_ =	swait.ge @!p0 [sflag:s8], $0x0  }
0x24: {  	s3 =	sadd.s32 $0x88, s3;
	s6 =	simm.s32 @!p1 $0x1082;
	[sflag:s4] =	ssyncset.s32 $0xFFFFF086  }
0x25: {  	[simem:s6], [sflag:s4] =	dma.local [hbm:s3], $0xF7A  }
0x26: {  	[smem:$0x3F9B] =	sst s1;
	(tag) =	ssettag s2;
	_ =	strace s9  }
0x27: {  	s1 =	sld [smem:$0x3FAB]  }
0x28: {  	s2 =	sld [smem:$0x3FAC]  }
0x29: {  	s4 =	sld [smem:$0x3FAE]  }
0x2a: {  	p0 =	seq.s32 s5, $0x0;
	s5 =	sld [smem:$0x3FAF]  }
0x2b: {  	s6 =	sld [smem:$0x3FB0]  }
0x2c: {  	s7 =	sld [smem:$0x3FB1]  }
0x2d: {  	s3 =	simm.s32 $0x108;
	s8 =	sld [smem:$0x3FB2]  }
0x2e: {  	s3 =	simm.s32 @!p0 $0x1082;
	s9 =	sld [smem:$0x3FB3]  }
0x2f: {  	lr =	sadd.s32 s0, s3;
	s0 =	sld [smem:$0x3FAA]  }
0x30: {  	s3 =	sld [smem:$0x3FAD]  }
0x31: {  	[smem:$0x3FB6] =	sst s10  }
0x32: {  	s10 =	sld [smem:$0x3FB4];
	_ =	sdelay $0x3  }
0x33: {  	p0 =	seq.s32 s10, $0x1;
	s10 =	sld [smem:$0x3FB6];
	_ =	sdelay $0x3  }
0x34: {  	[smem:$0x3FB6] =	sst s10  }
0x35: {  	s10 =	sld [smem:$0x3FB5];
	_ =	sdelay $0x3  }
0x36: {  	p1 =	seq.s32 s10, $0x1;
	s10 =	sld [smem:$0x3FB6];
	_ =	sdelay $0x3  }
0x37: {  	[smem:$0x3FB6] =	sst s10  }
0x38: {  	s10 =	sld [smem:$0x3FB7]  }
0x39: {  	_ = 	snop;
	(pc) =	sbr.ind lr, $3  }
0x3a: {  	_ = 	snop  }
0x3b: {  	_ = 	snop  }
0x3c: {  	p2 =	seq.s32 s10, $0x1;
	s10 =	sld [smem:$0x3FB6]  }
0x3d: {  	_ =	shalt  }
0x3e: {  	_ =	shalt  }
0x3f: {  	_ =	shalt  }
0x40: {  	_ =	shalt  }
0x41: {  	_ =	shalt  }
0x42: {  	_ =	shalt  }
0x43: {  	_ =	shalt  }
0x44: {  	_ =	shalt  }
0x45: {  	_ =	shalt  }
0x46: {  	_ =	shalt  }
0x47: {  	_ =	shalt  }
0x48: {  	_ =	shalt  }
0x49: {  	_ =	shalt  }
0x4a: {  	_ =	shalt  }
0x4b: {  	_ =	shalt  }
0x4c: {  	_ =	shalt  }
0x4d: {  	_ =	shalt  }
0x4e: {  	_ =	shalt  }
0x4f: {  	_ =	shalt  }
0x50: {  	_ =	shalt  }
0x51: {  	_ =	shalt  }
0x52: {  	_ =	shalt  }
0x53: {  	_ =	shalt  }
0x54: {  	_ =	shalt  }
0x55: {  	_ =	shalt  }
0x56: {  	_ =	shalt  }
0x57: {  	_ =	shalt  }
0x58: {  	_ =	shalt  }
0x59: {  	_ =	shalt  }
0x5a: {  	_ =	shalt  }
0x5b: {  	_ =	shalt  }
0x5c: {  	_ =	shalt  }
0x5d: {  	_ =	shalt  }
0x5e: {  	_ =	shalt  }
0x5f: {  	_ =	shalt  }
0x60: {  	_ =	shalt  }
0x61: {  	_ =	shalt  }
0x62: {  	_ =	shalt  }
0x63: {  	_ =	shalt  }
0x64: {  	_ =	shalt  }
0x65: {  	_ =	shalt  }
0x66: {  	_ =	shalt  }
0x67: {  	_ =	shalt  }
0x68: {  	_ =	shalt  }
0x69: {  	_ =	shalt  }
0x6a: {  	_ =	shalt  }
0x6b: {  	_ =	shalt  }
0x6c: {  	_ =	shalt  }
0x6d: {  	_ =	shalt  }
0x6e: {  	_ =	shalt  }
0x6f: {  	_ =	shalt  }
0x70: {  	_ =	shalt  }
0x71: {  	_ =	shalt  }
0x72: {  	_ =	shalt  }
0x73: {  	_ =	shalt  }
0x74: {  	_ =	shalt  }
0x75: {  	_ =	shalt  }
0x76: {  	_ =	shalt  }
0x77: {  	_ =	shalt  }
0x78: {  	_ =	shalt  }
0x79: {  	_ =	shalt  }
0x7a: {  	_ =	shalt  }
0x7b: {  	_ =	shalt  }
0x7c: {  	_ =	shalt  }
0x7d: {  	_ =	shalt  }
0x7e: {  	_ =	shalt  }
0x7f: {  	_ =	shalt  }
0x80: {  	_ =	shalt  }
0x81: {  	_ =	shalt  }
0x82: {  	_ =	shalt  }
0x83: {  	_ =	shalt  }
0x84: {  	_ =	shalt  }
0x85: {  	_ =	shalt  }
0x86: {  	_ =	shalt  }
0x87: {  	_ =	shalt  }
.Lfunc_end0:
.L_simem_size_0:
called_computation_lowered:
.L_overlay_start_0:
0x88: {  	s2 =	sld [smem:$0x3FD9]  }
0x89: {  	s3 =	sld [smem:$0x3FFE];
	_ =	sdelay $0x1  }
0x8a: {  	s1 =	srdreg.scid  }
0x8b: {  	s0 =	sand.u32 $0x1, s1  }
0x8c: {  	s17 =	sshll.u32 s0, $0xA;
	s2 =	sadd.s32 s3, s2  }
0x8d: {  	s2 =	sadd.s32 s2, s17  }
0x8e: {  	[smem:$0x3FC2] =	sst s2  }
0x8f: {  	_ = 	snop  }
0x90: {  	s2 =	sld [smem:$0x3FC9]  }
0x91: {  	s18 =	sld [smem:$0x3FD0];
	(tm) =	ssettm $0x1  }
0x92: {  	s4 =	sld [smem:$0x3FFB];
	_ =	sdelay $0x3  }
0x93: {  	_ =	strace s4  }
0x94: {  	s4 =	sld [smem:$0x3FFC];
	_ =	sdelay $0x3  }
0x95: {  	_ =	strace s4  }
0x96: {  	s4 =	sld [smem:$0x3FFD];
	_ =	sdelay $0x3  }
0x97: {  	_ =	strace s4  }
0x98: {  	_ =	strace $0x8FFFFFFF  }
0x99: {  	s19 =	sld [smem:$0x3FDB];
	_ =	sdelay $0x1  }
0x9a: {  	s5 =	simm.s32 $_scs_section_size  }
0x9b: {  	s6 =	simm.s32 $_size__tile_overlayer_lowered;
	s7 =	simm.s32 $_tile_overlayer_lowered  }
0x9c: {  	s22 =	simm.s32 $0x1BFF;
	s21 =	sshll.u32 s7, $0x1;
	s4 =	sadd.s32 s5, s19  }
0x9d: {  	s8 =	simm.s32 $0x0;
	s20 =	sshll.u32 s6, $0x1;
	s6 =	sadd.s32 s21, s4  }
0x9e: {  	[timem:s8], [sflag:s22] =	dma.local [hbm:s6], s20  }
0x9f: {  	_ =	swait.ge [sflag:s22], s20  }
0xa0: {  	s5 =	ssub.s32 $0x0, s20;
	[sflag:s22] =	ssyncset.done $0x0  }
0xa1: {  	[sflag:s22] =	ssyncadd.s32 s5;
	_ =	sdelay $0x1  }
0xa2: {  	s23 =	simm.s32 $0x1B8B  }
0xa3: {  	_ =	swait.ge [sflag:s23], $0x1  }
0xa4: {  	[sflag:s23] =	ssyncset.done $0x0  }
0xa5: {  	s25 =	simm.s32 $0x1B8E;
	s24 =	sld [smem:$0x3FFE];
	[sflag:s23] =	ssyncadd.s32 $0xFFFFFFFF  }
0xa6: {  	s26 =	simm.s32 $execute0_lowered;
	[smem:$0x3FD2] =	sst s25  }
0xa7: {  	s6 =	sshll.u32 s26, $0x1;
	_ =	strace $0x80000046;
	[dreg:$0x1] =	wrdreg $0xFFFFFFFF  }
0xa8: {  	s28 =	simm.s32 $_size_execute0_lowered;
	s4 =	sadd.s32 s4, s6;
	[dreg:$0x0] =	wrdreg $0x0  }
0xa9: {  	s6 =	sshll.u32 s28, $0x1;
	[dreg:$0x2] =	wrdreg s4  }
0xaa: {  	[dreg:$0x3] =	wrdreg s6  }
0xab: {  	[dreg:$0x4] =	wrdreg $0xC0  }
0xac: {  	_ =	task [dreg:s8], $0x5FFFF  }
0xad: {  	[dreg:$0x1] =	wrdreg $0xFFFFFFFF  }
0xae: {  	[dreg:$0x0] =	wrdreg $0x60  }
0xaf: {  	[dreg:$0x2] =	wrdreg s24  }
0xb0: {  	[dreg:$0x3] =	wrdreg s2  }
0xb1: {  	[dreg:$0x4] =	wrdreg s18  }
0xb2: {  	[dreg:$0x5] =	wrdreg $0x9  }
0xb3: {  	_ =	task.clear_ibuf [dreg:s8], $0x6FFFF;
	_ =	strace $0x90000046  }
0xb4: {  	s29 =	simm.s32 $0x9;
	_ =	strace $0x80000048  }
0xb5: {  	_ =	swait.ge [sflag:s29], $0x1  }
0xb6: {  	[sflag:s29] =	ssyncadd.s32 $0xFFFFFFFF  }
0xb7: {  	_ =	strace $0x90000048  }
0xb8: {  	_ =	sfence  }
0xb9: {  	s30 =	sld [smem:$0x0];
	_ =	sdelay $0x2  }
0xba: {  	s31 =	sshll.u32 s1, $0xD;
	s1 =	sshrl.u32 s1, $0x2  }
0xbb: {  	s3 =	sand.u32 $0x4000, s31;
	s1 =	sadd.s32 s1, s30  }
0xbc: {  	s0 =	sor.u32 s3, s0;
	s1 =	sshll.u32 s1, $0x11  }
0xbd: {  	s0 =	sor.u32 s1, s0  }
0xbe: {  	s0 =	sadd.s32 $0x8F2B, s0  }
0xbf: {  	[sflag:s0] =	ssyncadd.remote.s32 $0x1  }
0xc0: {  	_ =	sfence.sel $0xFFFF  }
0xc1: {  	[dreg:$0x0] =	wrdreg $0xFFFFFFFF;
	(pc) =	sbr.abs _section_cstart, $3  }
0xc2: {  	[dreg:$0x1] =	wrdreg $0xFFFFFFFF  }
0xc3: {  	_ =	task.clear_ibuf [dreg:s8], $0x2FFFF;
	_ =	strace $0x9FFFFFFF  }
0xc4: {  	(tm) =	ssettm $0x7FFFFFFF  }
0xc5: {  	_ =	shalt  }
tec
execute0_lowered:
.L_overlay_start_1:
0x0: {  	(tag) =	ssettag $0x1  }
0x1: {  	s3 =	rddreg [dreg:$0x0]  }
0x2: {  	s4 =	rddreg [dreg:$0x1]  }
0x3: {  	s5 =	rddreg [dreg:$0x2]  }
0x4: {  	s0 =	rddreg [dreg:$0x3]  }
0x5: {  	s2 =	simm.s32 $0x0;
	s6 =	srdreg.scid;
	s1 =	stileid.u32  }
0x6: {  	s10 =	simm.s32 $0x2;
	s11 =	simm.s32 $0x1;
	s12 =	simm.s32 $0x9780  }
0x7: {  	s13 =	simm.s32 $0x0;
	[smem:$0x7FF] =	sst s2;
	s6 =	sand.u32 $0x1, s6  }
0x8: {  	s8 =	sshll.u32 s1, $0xA;
	s3 =	sadd.s32 $0xE00, s3;
	s7 =	ssub.s32 $0x2, s6  }
0x9: {  	_ =	strace $0x80000047;
	s6 =	sshll.u32 s6, $0x9;
	s9 =	sshrl.u32 s7, $0x1  }
0xa: {  	s6 =	sor.u32 s6, s8;
	s8 =	simm.s32 $0x20000;
	s7 =	ssub.s32 s7, s9  }
0xb: {  	s4 =	sadd.s32 s4, s6;
	s6 =	sshrl.u32 s6, $0x3;
	s9 =	simm.s32 $0x2780  }
0xc: {  	s5 =	sadd.s32 s5, s6;
	s6 =	smax.u32 s7, $0x1;
	s7 =	simm.s32 $0x1000  }
.LBB2_1:
0xd: {  	[tilespmem:s9], [sflag:$0x1] =	stream.strided.gather [hbm4b:s4+s7], $0x7000, s8, s7, $0x38;
	[tilespmem:$0x9980] =	vst v63  }
0xe: {  	_ = 	snop  }
0xf: {  	[tilespmem:s2], [sflag:$0x2] =	stream.linear.gather [hbm4b:s3+s2], $0x2780, $0x38;
	[tilespmem:$0x9980] =	vst v63  }
0x10: {  	_ =	swait.ge [sflag:s10], $0x2780  }
0x11: {  	[sflag:s10] =	ssyncset.done $0x0  }
0x12: {  	[sflag:s10] =	ssyncadd.s32 $0xFFFFD880  }
0x13: {  	_ =	swait.ge [sflag:s11], $0x7000  }
0x14: {  	s14 =	sand.u32 $0x70, s2;
	s15 =	sand.u32 $0xC00, s2;
	[sflag:s11] =	ssyncset.done $0x0  }
0x15: {  	s14 =	sor.u32 s14, s15;
	[sflag:s11] =	ssyncadd.s32 $0xFFFF9000  }
0x16: {  	v0 =	vld [tilespmem:s14+$0x2780]  }
0x17: {  	v1 =	vld [tilespmem:s14+$0x2800]  }
0x18: {  	v2 =	vld [tilespmem:s14+$0x2880]  }
0x19: {  	v3 =	vld [tilespmem:s14+$0x2900]  }
0x1a: {  	v4 =	vld [tilespmem:s14+$0x2980]  }
0x1b: {  	v6 =	vld [tilespmem:s14+$0x2B00]  }
0x1c: {  	v7 =	vld [tilespmem:s14+$0x3780]  }
0x1d: {  	v47 =	vld [tilespmem:s14+$0x7A00]  }
0x1e: {  	v48 =	vld [tilespmem:s14+$0x7A80]  }
0x1f: {  	s29 =	simm.s32 $0x10;
	s16 =	simm.s32 $0x80;
	v49 =	vld [tilespmem:s14+$0x7B00]  }
0x20: {  	s15 =	sand.u32 $0x70, s29;
	s16 =	sand.u32 $0xC00, s16;
	v50 =	vld [tilespmem:s14+$0x8780]  }
0x21: {  	s30 =	sor.u32 s15, s16;
	v51 =	vld [tilespmem:s14+$0x8800]  }
0x22: {  	v54 =	vld [tilespmem:s30+$0x2780]  }
0x23: {  	v55 =	vld [tilespmem:s30+$0x2800]  }
0x24: {  	v56 =	vld [tilespmem:s30+$0x2880]  }
0x25: {  	v57 =	vld [tilespmem:s30+$0x2900]  }
0x26: {  	v58 =	vld [tilespmem:s30+$0x2980]  }
0x27: {  	v60 =	vld [tilespmem:s30+$0x2A00]  }
0x28: {  	v61 =	vld [tilespmem:s30+$0x2A80]  }
0x29: {  	v63 =	vld [tilespmem:s30+$0x2B00]  }
0x2a: {  	v53 =	vld [tilespmem:s30+$0x3780]  }
0x2b: {  	v5 =	vld.idx.msk [tilespmem:v0+s2+$0x0], $0xffff  }
0x2c: {  	v0 =	vld [tilespmem:s14+$0x2A00]  }
0x2d: {  	v30 =	vld.idx.msk [tilespmem:v4+s2+$0x0], $0xffff  }
0x2e: {  	v4 =	vld [tilespmem:s14+$0x3800]  }
0x2f: {  	v29 =	vld.idx.msk [tilespmem:v1+s2+$0x0], $0xffff  }
0x30: {  	v1 =	vld [tilespmem:s14+$0x2A80]  }
0x31: {  	v2 =	vld.idx.msk [tilespmem:v2+s2+$0x0], $0xffff  }
0x32: {  	v3 =	vld.idx.msk [tilespmem:v3+s2+$0x0], $0xffff  }
0x33: {  	v33 =	vld.idx.msk [tilespmem:v6+s2+$0x0], $0xffff  }
0x34: {  	v31 =	vld.idx.msk [tilespmem:v0+s2+$0x0], $0xffff  }
0x35: {  	v0 =	vld [tilespmem:s14+$0x3880]  }
0x36: {  	v35 =	vld.idx.msk [tilespmem:v4+s2+$0x0], $0xffff  }
0x37: {  	v4 =	vld [tilespmem:s14+$0x3A80]  }
0x38: {  	v6 =	vld [tilespmem:s14+$0x3980]  }
0x39: {  	v34 =	vld.idx.msk [tilespmem:v7+s2+$0x0], $0xffff  }
0x3a: {  	v7 =	vld [tilespmem:s14+$0x3A00]  }
0x3b: {  	v59 =	vld.idx.msk [tilespmem:v54+s2+$0x0], $0xffff  }
0x3c: {  	v32 =	vld.idx.msk [tilespmem:v1+s2+$0x0], $0xffff  }
0x3d: {  	v36 =	vld.idx.msk [tilespmem:v0+s2+$0x0], $0xffff  }
0x3e: {  	v0 =	vld [tilespmem:s14+$0x3B00]  }
0x3f: {  	v40 =	vld.idx.msk [tilespmem:v4+s2+$0x0], $0xffff  }
0x40: {  	v4 =	vld [tilespmem:s14+$0x4900]  }
0x41: {  	v1 =	vld [tilespmem:s14+$0x3900]  }
0x42: {  	v38 =	vld.idx.msk [tilespmem:v6+s2+$0x0], $0xffff  }
0x43: {  	v6 =	vld [tilespmem:s14+$0x4800]  }
0x44: {  	v39 =	vld.idx.msk [tilespmem:v7+s2+$0x0], $0xffff  }
0x45: {  	v7 =	vld [tilespmem:s14+$0x4880]  }
0x46: {  	v41 =	vld.idx.msk [tilespmem:v0+s2+$0x0], $0xffff  }
0x47: {  	v0 =	vld [tilespmem:s14+$0x4980]  }
0x48: {  	v45 =	vld.idx.msk [tilespmem:v4+s2+$0x0], $0xffff  }
0x49: {  	v4 =	vld [tilespmem:s14+$0x5780]  }
0x4a: {  	v37 =	vld.idx.msk [tilespmem:v1+s2+$0x0], $0xffff  }
0x4b: {  	v1 =	vld [tilespmem:s14+$0x4780]  }
0x4c: {  	v43 =	vld.idx.msk [tilespmem:v6+s2+$0x0], $0xffff  }
0x4d: {  	v6 =	vld [tilespmem:s14+$0x4A80]  }
0x4e: {  	v44 =	vld.idx.msk [tilespmem:v7+s2+$0x0], $0xffff  }
0x4f: {  	v46 =	vld.idx.msk [tilespmem:v0+s2+$0x0], $0xffff  }
0x50: {  	v0 =	vld [tilespmem:s14+$0x5800]  }
0x51: {  	v25 =	vld.idx.msk [tilespmem:v4+s2+$0x0], $0xffff  }
0x52: {  	v4 =	vld [tilespmem:s14+$0x5A00]  }
0x53: {  	v7 =	vld [tilespmem:s14+$0x4B00]  }
0x54: {  	v42 =	vld.idx.msk [tilespmem:v1+s2+$0x0], $0xffff  }
0x55: {  	v1 =	vld [tilespmem:s14+$0x4A00]  }
0x56: {  	v27 =	vld.idx.msk [tilespmem:v6+s2+$0x0], $0xffff  }
0x57: {  	v6 =	vld [tilespmem:s14+$0x5900]  }
0x58: {  	v24 =	vld.idx.msk [tilespmem:v0+s2+$0x0], $0xffff  }
0x59: {  	v0 =	vld [tilespmem:s14+$0x5A80]  }
0x5a: {  	v20 =	vld.idx.msk [tilespmem:v4+s2+$0x0], $0xffff  }
0x5b: {  	v4 =	vld [tilespmem:s14+$0x6880]  }
0x5c: {  	v26 =	vld.idx.msk [tilespmem:v7+s2+$0x0], $0xffff  }
0x5d: {  	v7 =	vld [tilespmem:s14+$0x5980]  }
0x5e: {  	v28 =	vld.idx.msk [tilespmem:v1+s2+$0x0], $0xffff  }
0x5f: {  	v1 =	vld [tilespmem:s14+$0x5880]  }
0x60: {  	v22 =	vld.idx.msk [tilespmem:v6+s2+$0x0], $0xffff  }
0x61: {  	v19 =	vld.idx.msk [tilespmem:v0+s2+$0x0], $0xffff  }
0x62: {  	v0 =	vld [tilespmem:s14+$0x6900]  }
0x63: {  	v15 =	vld.idx.msk [tilespmem:v4+s2+$0x0], $0xffff  }
0x64: {  	v4 =	vld [tilespmem:s14+$0x6B00]  }
0x65: {  	v6 =	vld [tilespmem:s14+$0x6780]  }
0x66: {  	v21 =	vld.idx.msk [tilespmem:v7+s2+$0x0], $0xffff  }
0x67: {  	v7 =	vld [tilespmem:s14+$0x6800]  }
0x68: {  	v23 =	vld.idx.msk [tilespmem:v1+s2+$0x0], $0xffff  }
0x69: {  	v1 =	vld [tilespmem:s14+$0x5B00]  }
0x6a: {  	v14 =	vld.idx.msk [tilespmem:v0+s2+$0x0], $0xffff  }
0x6b: {  	v0 =	vld [tilespmem:s14+$0x7780]  }
0x6c: {  	v10 =	vld.idx.msk [tilespmem:v4+s2+$0x0], $0xffff  }
0x6d: {  	v4 =	vld [tilespmem:s14+$0x7980]  }
0x6e: {  	v17 =	vld.idx.msk [tilespmem:v6+s2+$0x0], $0xffff  }
0x6f: {  	v6 =	vld [tilespmem:s14+$0x6A00]  }
0x70: {  	v16 =	vld.idx.msk [tilespmem:v7+s2+$0x0], $0xffff  }
0x71: {  	v7 =	vld [tilespmem:s14+$0x6A80]  }
0x72: {  	v18 =	vld.idx.msk [tilespmem:v1+s2+$0x0], $0xffff  }
0x73: {  	v1 =	vld [tilespmem:s14+$0x6980]  }
0x74: {  	v9 =	vld.idx.msk [tilespmem:v0+s2+$0x0], $0xffff  }
0x75: {  	v0 =	vld.idx.msk [tilespmem:v4+s2+$0x0], $0xffff;
	v4 =	vadd.f32 $0.0e+00, v5  }
0x76: {  	v62 =	vld.idx.msk [tilespmem:v56+s2+$0x0], $0xffff  }
0x77: {  	v52 =	vld.idx.msk [tilespmem:v57+s2+$0x0], $0xffff;
	v4 =	vadd.f32 v29, v4  }
0x78: {  	v54 =	vld.idx.msk [tilespmem:v58+s2+$0x0], $0xffff  }
0x79: {  	v12 =	vld.idx.msk [tilespmem:v6+s2+$0x0], $0xffff;
	v2 =	vadd.f32 v2, v4  }
0x7a: {  	v6 =	vld [tilespmem:s14+$0x7880]  }
0x7b: {  	v11 =	vld.idx.msk [tilespmem:v7+s2+$0x0], $0xffff;
	v3 =	vadd.f32 v3, v2  }
0x7c: {  	v13 =	vld.idx.msk [tilespmem:v1+s2+$0x0], $0xffff  }
0x7d: {  	v1 =	vld [tilespmem:s14+$0x7800];
	v30 =	vadd.f32 v30, v3  }
0x7e: {  	v7 =	vld [tilespmem:s14+$0x7900]  }
0x7f: {  	v56 =	vld.idx.msk [tilespmem:v60+s2+$0x0], $0xffff;
	v30 =	vadd.f32 v31, v30  }
0x80: {  	v57 =	vld [tilespmem:s30+$0x3880]  }
0x81: {  	v58 =	vld [tilespmem:s30+$0x3900];
	v30 =	vadd.f32 v32, v30  }
0x82: {  	v29 =	vld.idx.msk [tilespmem:v55+s2+$0x0], $0xffff  }
0x83: {  	v60 =	vld [tilespmem:s30+$0x3980];
	v30 =	vadd.f32 v33, v30  }
0x84: {  	v6 =	vld.idx.msk [tilespmem:v6+s2+$0x0], $0xffff  }
0x85: {  	v8 =	vld.idx.msk [tilespmem:v1+s2+$0x0], $0xffff;
	v31 =	vadd.f32 $0.0e+00, v59;
	v30 =	vadd.f32 v34, v30  }
0x86: {  	v1 =	vld.idx.msk [tilespmem:v7+s2+$0x0], $0xffff  }
0x87: {  	v7 =	vld.idx.msk [tilespmem:v47+s2+$0x0], $0xffff;
	v29 =	vadd.f32 v29, v31;
	v30 =	vadd.f32 v35, v30  }
0x88: {  	v5 =	vld.idx.msk [tilespmem:v48+s2+$0x0], $0xffff  }
0x89: {  	v55 =	vld [tilespmem:s30+$0x3800];
	v29 =	vadd.f32 v62, v29;
	v30 =	vadd.f32 v36, v30  }
0x8a: {  	v47 =	vld.idx.msk [tilespmem:v57+s2+$0x0], $0xffff  }
0x8b: {  	v48 =	vld [tilespmem:s30+$0x3B00];
	v29 =	vadd.f32 v52, v29;
	v30 =	vadd.f32 v37, v30  }
0x8c: {  	v32 =	vld.idx.msk [tilespmem:v61+s2+$0x0], $0xffff  }
0x8d: {  	v4 =	vld.idx.msk [tilespmem:v49+s2+$0x0], $0xffff;
	v29 =	vadd.f32 v54, v29;
	v30 =	vadd.f32 v38, v30  }
0x8e: {  	v59 =	vld.idx.msk [tilespmem:v63+s2+$0x0], $0xffff  }
0x8f: {  	v49 =	vld.idx.msk [tilespmem:v58+s2+$0x0], $0xffff;
	v29 =	vadd.f32 v56, v29;
	v30 =	vadd.f32 v39, v30  }
0x90: {  	v61 =	vld.idx.msk [tilespmem:v53+s2+$0x0], $0xffff  }
0x91: {  	v63 =	vld.idx.msk [tilespmem:v55+s2+$0x0], $0xffff;
	v29 =	vadd.f32 v32, v29;
	v30 =	vadd.f32 v40, v30  }
0x92: {  	v62 =	vld [tilespmem:s30+$0x3A00]  }
0x93: {  	v58 =	vld [tilespmem:s30+$0x4980];
	v29 =	vadd.f32 v59, v29;
	v30 =	vadd.f32 v41, v30  }
0x94: {  	v40 =	vld [tilespmem:s30+$0x3A80]  }
0x95: {  	v2 =	vld.idx.msk [tilespmem:v50+s2+$0x0], $0xffff;
	v29 =	vadd.f32 v61, v29;
	v30 =	vadd.f32 v42, v30  }
0x96: {  	v50 =	vld [tilespmem:s30+$0x4780]  }
0x97: {  	v3 =	vld.idx.msk [tilespmem:v51+s2+$0x0], $0xffff;
	v29 =	vadd.f32 v63, v29;
	v30 =	vadd.f32 v43, v30  }
0x98: {  	v51 =	vld.idx.msk [tilespmem:v60+s2+$0x0], $0xffff  }
0x99: {  	v52 =	vld [tilespmem:s30+$0x4800];
	v29 =	vadd.f32 v47, v29;
	v30 =	vadd.f32 v44, v30  }
0x9a: {  	v53 =	vld.idx.msk [tilespmem:v62+s2+$0x0], $0xffff  }
0x9b: {  	v54 =	vld [tilespmem:s30+$0x4880];
	v29 =	vadd.f32 v49, v29;
	v30 =	vadd.f32 v45, v30  }
0x9c: {  	v55 =	vld.idx.msk [tilespmem:v40+s2+$0x0], $0xffff  }
0x9d: {  	v57 =	vld.idx.msk [tilespmem:v48+s2+$0x0], $0xffff;
	v29 =	vadd.f32 v51, v29;
	v30 =	vadd.f32 v46, v30  }
0x9e: {  	v56 =	vld [tilespmem:s30+$0x4900]  }
0x9f: {  	v60 =	vld [tilespmem:s30+$0x4A00];
	v29 =	vadd.f32 v53, v29;
	v28 =	vadd.f32 v28, v30  }
0xa0: {  	v59 =	vld.idx.msk [tilespmem:v50+s2+$0x0], $0xffff  }
0xa1: {  	v48 =	vld [tilespmem:s30+$0x5880];
	v61 =	vadd.f32 v55, v29;
	v27 =	vadd.f32 v27, v28  }
0xa2: {  	v62 =	vld.idx.msk [tilespmem:v52+s2+$0x0], $0xffff  }
0xa3: {  	v38 =	vld.idx.msk [tilespmem:v54+s2+$0x0], $0xffff;
	v37 =	vadd.f32 v57, v61;
	v26 =	vadd.f32 v26, v27  }
0xa4: {  	v63 =	vld [tilespmem:s30+$0x4A80]  }
0xa5: {  	v39 =	vld [tilespmem:s30+$0x4B00];
	v40 =	vadd.f32 v59, v37;
	v25 =	vadd.f32 v25, v26  }
0xa6: {  	v41 =	vld.idx.msk [tilespmem:v56+s2+$0x0], $0xffff  }
0xa7: {  	v42 =	vld [tilespmem:s30+$0x5780];
	v43 =	vadd.f32 v62, v40;
	v24 =	vadd.f32 v24, v25  }
0xa8: {  	v44 =	vld.idx.msk [tilespmem:v58+s2+$0x0], $0xffff  }
0xa9: {  	v47 =	vld.idx.msk [tilespmem:v60+s2+$0x0], $0xffff;
	v46 =	vadd.f32 v38, v43;
	v23 =	vadd.f32 v23, v24  }
0xaa: {  	v45 =	vld [tilespmem:s30+$0x5800]  }
0xab: {  	v33 =	vld [tilespmem:s30+$0x6800];
	v49 =	vadd.f32 v41, v46;
	v22 =	vadd.f32 v22, v23  }
0xac: {  	v50 =	vld.idx.msk [tilespmem:v63+s2+$0x0], $0xffff  }
0xad: {  	v51 =	vld [tilespmem:s30+$0x5900];
	v52 =	vadd.f32 v44, v49;
	v21 =	vadd.f32 v21, v22  }
0xae: {  	v53 =	vld.idx.msk [tilespmem:v39+s2+$0x0], $0xffff  }
0xaf: {  	v54 =	vld [tilespmem:s30+$0x5980];
	v55 =	vadd.f32 v47, v52;
	v20 =	vadd.f32 v20, v21  }
0xb0: {  	v56 =	vld.idx.msk [tilespmem:v42+s2+$0x0], $0xffff  }
0xb1: {  	v57 =	vld [tilespmem:s30+$0x5A00];
	v58 =	vadd.f32 v50, v55;
	v19 =	vadd.f32 v19, v20  }
0xb2: {  	v59 =	vld.idx.msk [tilespmem:v45+s2+$0x0], $0xffff  }
0xb3: {  	v60 =	vld [tilespmem:s30+$0x5A80];
	v61 =	vadd.f32 v53, v58;
	v18 =	vadd.f32 v18, v19  }
0xb4: {  	v62 =	vld.idx.msk [tilespmem:v48+s2+$0x0], $0xffff  }
0xb5: {  	v63 =	vld [tilespmem:s30+$0x5B00];
	v28 =	vadd.f32 v56, v61;
	v17 =	vadd.f32 v17, v18  }
0xb6: {  	v29 =	vld.idx.msk [tilespmem:v51+s2+$0x0], $0xffff  }
0xb7: {  	v32 =	vld.idx.msk [tilespmem:v54+s2+$0x0], $0xffff;
	v31 =	vadd.f32 v59, v28;
	v16 =	vadd.f32 v16, v17  }
0xb8: {  	v30 =	vld [tilespmem:s30+$0x6780]  }
0xb9: {  	v36 =	vld [tilespmem:s30+$0x6880];
	v34 =	vadd.f32 v62, v31;
	v15 =	vadd.f32 v15, v16  }
0xba: {  	v35 =	vld.idx.msk [tilespmem:v57+s2+$0x0], $0xffff  }
0xbb: {  	v54 =	vld [tilespmem:s30+$0x7780];
	v37 =	vadd.f32 v29, v34;
	v14 =	vadd.f32 v14, v15  }
0xbc: {  	v38 =	vld.idx.msk [tilespmem:v60+s2+$0x0], $0xffff  }
0xbd: {  	v39 =	vld [tilespmem:s30+$0x6900];
	v40 =	vadd.f32 v32, v37;
	v13 =	vadd.f32 v13, v14  }
0xbe: {  	v41 =	vld.idx.msk [tilespmem:v63+s2+$0x0], $0xffff  }
0xbf: {  	v42 =	vld [tilespmem:s30+$0x6980];
	v43 =	vadd.f32 v35, v40;
	v12 =	vadd.f32 v12, v13  }
0xc0: {  	v44 =	vld.idx.msk [tilespmem:v30+s2+$0x0], $0xffff  }
0xc1: {  	v45 =	vld [tilespmem:s30+$0x6A00];
	v46 =	vadd.f32 v38, v43;
	v11 =	vadd.f32 v11, v12  }
0xc2: {  	v47 =	vld.idx.msk [tilespmem:v33+s2+$0x0], $0xffff  }
0xc3: {  	v48 =	vld [tilespmem:s30+$0x6A80];
	v49 =	vadd.f32 v41, v46;
	v10 =	vadd.f32 v10, v11  }
0xc4: {  	v50 =	vld.idx.msk [tilespmem:v36+s2+$0x0], $0xffff  }
0xc5: {  	v51 =	vld [tilespmem:s30+$0x6B00];
	v52 =	vadd.f32 v44, v49;
	v9 =	vadd.f32 v9, v10  }
0xc6: {  	v53 =	vld.idx.msk [tilespmem:v39+s2+$0x0], $0xffff  }
0xc7: {  	v60 =	vld [tilespmem:s30+$0x7900];
	v55 =	vadd.f32 v47, v52;
	v8 =	vadd.f32 v8, v9  }
0xc8: {  	v56 =	vld.idx.msk [tilespmem:v42+s2+$0x0], $0xffff  }
0xc9: {  	v57 =	vld [tilespmem:s30+$0x7800];
	v6 =	vadd.f32 v6, v8;
	v8 =	vadd.f32 v50, v55  }
0xca: {  	v58 =	vld.idx.msk [tilespmem:v45+s2+$0x0], $0xffff  }
0xcb: {  	v59 =	vld [tilespmem:s30+$0x7880];
	v1 =	vadd.f32 v1, v6;
	v6 =	vadd.f32 v53, v8  }
0xcc: {  	v8 =	vld.idx.msk [tilespmem:v48+s2+$0x0], $0xffff  }
0xcd: {  	v61 =	vld [tilespmem:s30+$0x7980];
	v0 =	vadd.f32 v0, v1;
	v1 =	vadd.f32 v56, v6  }
0xce: {  	v6 =	vld.idx.msk [tilespmem:v51+s2+$0x0], $0xffff  }
0xcf: {  	v62 =	vld [tilespmem:s30+$0x7A00];
	v0 =	vadd.f32 v7, v0;
	v1 =	vadd.f32 v58, v1  }
0xd0: {  	v7 =	vld.idx.msk [tilespmem:v54+s2+$0x0], $0xffff  }
0xd1: {  	v5 =	vadd.f32 v5, v0;
	v1 =	vadd.f32 v8, v1;
	v8 =	vld.idx.msk [tilespmem:v57+s2+$0x0], $0xffff  }
0xd2: {  	v0 =	vld [tilespmem:s30+$0x7A80]  }
0xd3: {  	v4 =	vadd.f32 v4, v5;
	v5 =	vadd.f32 v6, v1;
	v6 =	vld.idx.msk [tilespmem:v59+s2+$0x0], $0xffff  }
0xd4: {  	v1 =	vld [tilespmem:s30+$0x7B00]  }
0xd5: {  	v63 =	vadd.f32 v2, v4;
	v5 =	vadd.f32 v7, v5;
	v4 =	vld.idx.msk [tilespmem:v60+s2+$0x0], $0xffff  }
0xd6: {  	v2 =	vld [tilespmem:s30+$0x8780]  }
0xd7: {  	s31 =	simm.s32 $0x20;
	s16 =	simm.s32 $0x100;
	v7 =	vadd.f32 v3, v63;
	v8 =	vadd.f32 v8, v5;
	v5 =	vld.idx.msk [tilespmem:v61+s2+$0x0], $0xffff  }
0xd8: {  	s15 =	sand.u32 $0x70, s31;
	s17 =	sand.u32 $0xC00, s16;
	v3 =	vld [tilespmem:s30+$0x8800]  }
0xd9: {  	s15 =	sor.u32 s15, s17;
	s17 =	simm.s32 $0x30;
	s14 =	simm.s32 $0x9780;
	[tilespmem:s12+$0x0] =	vst v7;
	v7 =	vadd.f32 v6, v8;
	v6 =	vld.idx.msk [tilespmem:v62+s2+$0x0], $0xffff  }
.LBB2_2:
0xda: {  	p0 =	sne.s32 s17, $0x1F0;
	v8 =	vld [tilespmem:s15+$0x2780]  }
0xdb: {  	v4 =	vadd.f32 v4, v7;
	v0 =	vld.idx.msk [tilespmem:v0+s2+$0x0], $0xffff  }
0xdc: {  	v7 =	vld [tilespmem:s15+$0x2800]  }
0xdd: {  	v4 =	vadd.f32 v5, v4;
	v1 =	vld.idx.msk [tilespmem:v1+s2+$0x0], $0xffff  }
0xde: {  	v5 =	vld [tilespmem:s15+$0x2880]  }
0xdf: {  	v4 =	vadd.f32 v6, v4;
	v2 =	vld.idx.msk [tilespmem:v2+s2+$0x0], $0xffff  }
0xe0: {  	v6 =	vld [tilespmem:s15+$0x2900]  }
0xe1: {  	v0 =	vadd.f32 v0, v4;
	v3 =	vld.idx.msk [tilespmem:v3+s2+$0x0], $0xffff  }
0xe2: {  	v4 =	vld [tilespmem:s15+$0x2980]  }
0xe3: {  	v8 =	vld.idx.msk [tilespmem:v8+s2+$0x0], $0xffff;
	v0 =	vadd.f32 v1, v0  }
0xe4: {  	v1 =	vld [tilespmem:s15+$0x2A00]  }
0xe5: {  	v7 =	vld.idx.msk [tilespmem:v7+s2+$0x0], $0xffff;
	v0 =	vadd.f32 v2, v0  }
0xe6: {  	v2 =	vld [tilespmem:s15+$0x2A80]  }
0xe7: {  	v5 =	vld.idx.msk [tilespmem:v5+s2+$0x0], $0xffff;
	v0 =	vadd.f32 v3, v0  }
0xe8: {  	s14 =	sadd.s32 $0x10, s14;
	v3 =	vld [tilespmem:s15+$0x2B00]  }
0xe9: {  	v8 =	vadd.f32 $0.0e+00, v8;
	v6 =	vld.idx.msk [tilespmem:v6+s2+$0x0], $0xffff;
	[tilespmem:s14+$0x0] =	vst v0  }
0xea: {  	v0 =	vld [tilespmem:s15+$0x3780]  }
0xeb: {  	v7 =	vadd.f32 v7, v8;
	v4 =	vld.idx.msk [tilespmem:v4+s2+$0x0], $0xffff  }
0xec: {  	v8 =	vld [tilespmem:s15+$0x3800]  }
0xed: {  	v5 =	vadd.f32 v5, v7;
	v1 =	vld.idx.msk [tilespmem:v1+s2+$0x0], $0xffff  }
0xee: {  	v7 =	vld [tilespmem:s15+$0x3880]  }
0xef: {  	v5 =	vadd.f32 v6, v5;
	v2 =	vld.idx.msk [tilespmem:v2+s2+$0x0], $0xffff  }
0xf0: {  	v6 =	vld [tilespmem:s15+$0x3900]  }
0xf1: {  	v4 =	vadd.f32 v4, v5;
	v3 =	vld.idx.msk [tilespmem:v3+s2+$0x0], $0xffff  }
0xf2: {  	v5 =	vld [tilespmem:s15+$0x3980]  }
0xf3: {  	v1 =	vadd.f32 v1, v4;
	v0 =	vld.idx.msk [tilespmem:v0+s2+$0x0], $0xffff  }
0xf4: {  	v4 =	vld [tilespmem:s15+$0x3A00]  }
0xf5: {  	v1 =	vadd.f32 v2, v1;
	v2 =	vld.idx.msk [tilespmem:v8+s2+$0x0], $0xffff  }
0xf6: {  	v8 =	vld [tilespmem:s15+$0x3A80]  }
0xf7: {  	v1 =	vadd.f32 v3, v1;
	v3 =	vld.idx.msk [tilespmem:v7+s2+$0x0], $0xffff  }
0xf8: {  	v7 =	vld [tilespmem:s15+$0x3B00]  }
0xf9: {  	v0 =	vadd.f32 v0, v1;
	v1 =	vld.idx.msk [tilespmem:v6+s2+$0x0], $0xffff  }
0xfa: {  	v6 =	vld [tilespmem:s15+$0x4780]  }
0xfb: {  	v0 =	vadd.f32 v2, v0;
	v2 =	vld.idx.msk [tilespmem:v5+s2+$0x0], $0xffff  }
0xfc: {  	v5 =	vld [tilespmem:s15+$0x4800]  }
0xfd: {  	v0 =	vadd.f32 v3, v0;
	v3 =	vld.idx.msk [tilespmem:v4+s2+$0x0], $0xffff  }
0xfe: {  	v4 =	vld [tilespmem:s15+$0x4880]  }
0xff: {  	v0 =	vadd.f32 v1, v0;
	v1 =	vld.idx.msk [tilespmem:v8+s2+$0x0], $0xffff  }
0x100: {  	v8 =	vld [tilespmem:s15+$0x4900]  }
0x101: {  	v0 =	vadd.f32 v2, v0;
	v2 =	vld.idx.msk [tilespmem:v7+s2+$0x0], $0xffff  }
0x102: {  	v7 =	vld [tilespmem:s15+$0x4980]  }
0x103: {  	v0 =	vadd.f32 v3, v0;
	v3 =	vld.idx.msk [tilespmem:v6+s2+$0x0], $0xffff  }
0x104: {  	v6 =	vld [tilespmem:s15+$0x4A00]  }
0x105: {  	v0 =	vadd.f32 v1, v0;
	v1 =	vld.idx.msk [tilespmem:v5+s2+$0x0], $0xffff  }
0x106: {  	v5 =	vld [tilespmem:s15+$0x4A80]  }
0x107: {  	v0 =	vadd.f32 v2, v0;
	v2 =	vld.idx.msk [tilespmem:v4+s2+$0x0], $0xffff  }
0x108: {  	v4 =	vld [tilespmem:s15+$0x4B00]  }
0x109: {  	v0 =	vadd.f32 v3, v0;
	v3 =	vld.idx.msk [tilespmem:v8+s2+$0x0], $0xffff  }
0x10a: {  	v8 =	vld [tilespmem:s15+$0x5780]  }
0x10b: {  	v0 =	vadd.f32 v1, v0;
	v1 =	vld.idx.msk [tilespmem:v7+s2+$0x0], $0xffff  }
0x10c: {  	v7 =	vld [tilespmem:s15+$0x5800]  }
0x10d: {  	v0 =	vadd.f32 v2, v0;
	v2 =	vld.idx.msk [tilespmem:v6+s2+$0x0], $0xffff  }
0x10e: {  	v6 =	vld [tilespmem:s15+$0x5880]  }
0x10f: {  	v0 =	vadd.f32 v3, v0;
	v3 =	vld.idx.msk [tilespmem:v5+s2+$0x0], $0xffff  }
0x110: {  	v5 =	vld [tilespmem:s15+$0x5900]  }
0x111: {  	v0 =	vadd.f32 v1, v0;
	v1 =	vld.idx.msk [tilespmem:v4+s2+$0x0], $0xffff  }
0x112: {  	v4 =	vld [tilespmem:s15+$0x5980]  }
0x113: {  	v0 =	vadd.f32 v2, v0;
	v2 =	vld.idx.msk [tilespmem:v8+s2+$0x0], $0xffff  }
0x114: {  	v8 =	vld [tilespmem:s15+$0x5A00]  }
0x115: {  	v0 =	vadd.f32 v3, v0;
	v3 =	vld.idx.msk [tilespmem:v7+s2+$0x0], $0xffff  }
0x116: {  	v7 =	vld [tilespmem:s15+$0x5A80]  }
0x117: {  	v0 =	vadd.f32 v1, v0;
	v1 =	vld.idx.msk [tilespmem:v6+s2+$0x0], $0xffff  }
0x118: {  	v6 =	vld [tilespmem:s15+$0x5B00]  }
0x119: {  	v0 =	vadd.f32 v2, v0;
	v2 =	vld.idx.msk [tilespmem:v5+s2+$0x0], $0xffff  }
0x11a: {  	v5 =	vld [tilespmem:s15+$0x6780]  }
0x11b: {  	v0 =	vadd.f32 v3, v0;
	v3 =	vld.idx.msk [tilespmem:v4+s2+$0x0], $0xffff  }
0x11c: {  	v4 =	vld [tilespmem:s15+$0x6800]  }
0x11d: {  	v0 =	vadd.f32 v1, v0;
	v1 =	vld.idx.msk [tilespmem:v8+s2+$0x0], $0xffff  }
0x11e: {  	v8 =	vld [tilespmem:s15+$0x6880]  }
0x11f: {  	v0 =	vadd.f32 v2, v0;
	v2 =	vld.idx.msk [tilespmem:v7+s2+$0x0], $0xffff  }
0x120: {  	v7 =	vld [tilespmem:s15+$0x6900]  }
0x121: {  	v0 =	vadd.f32 v3, v0;
	v3 =	vld.idx.msk [tilespmem:v6+s2+$0x0], $0xffff  }
0x122: {  	v6 =	vld [tilespmem:s15+$0x6980]  }
0x123: {  	v0 =	vadd.f32 v1, v0;
	v1 =	vld.idx.msk [tilespmem:v5+s2+$0x0], $0xffff  }
0x124: {  	v5 =	vld [tilespmem:s15+$0x6A00]  }
0x125: {  	v0 =	vadd.f32 v2, v0;
	v2 =	vld.idx.msk [tilespmem:v4+s2+$0x0], $0xffff  }
0x126: {  	v4 =	vld [tilespmem:s15+$0x6A80]  }
0x127: {  	v0 =	vadd.f32 v3, v0;
	v3 =	vld.idx.msk [tilespmem:v8+s2+$0x0], $0xffff  }
0x128: {  	v8 =	vld [tilespmem:s15+$0x6B00]  }
0x129: {  	v0 =	vadd.f32 v1, v0;
	v1 =	vld.idx.msk [tilespmem:v7+s2+$0x0], $0xffff  }
0x12a: {  	v7 =	vld [tilespmem:s15+$0x7780]  }
0x12b: {  	v0 =	vadd.f32 v2, v0;
	v2 =	vld.idx.msk [tilespmem:v6+s2+$0x0], $0xffff  }
0x12c: {  	v6 =	vld [tilespmem:s15+$0x7800]  }
0x12d: {  	v0 =	vadd.f32 v3, v0;
	v3 =	vld.idx.msk [tilespmem:v5+s2+$0x0], $0xffff  }
0x12e: {  	v5 =	vld [tilespmem:s15+$0x7880]  }
0x12f: {  	v0 =	vadd.f32 v1, v0;
	v1 =	vld.idx.msk [tilespmem:v4+s2+$0x0], $0xffff  }
0x130: {  	v4 =	vld [tilespmem:s15+$0x7900]  }
0x131: {  	v0 =	vadd.f32 v2, v0;
	v2 =	vld.idx.msk [tilespmem:v8+s2+$0x0], $0xffff  }
0x132: {  	v8 =	vld [tilespmem:s15+$0x7980]  }
0x133: {  	v0 =	vadd.f32 v3, v0;
	v3 =	vld.idx.msk [tilespmem:v7+s2+$0x0], $0xffff  }
0x134: {  	v9 =	vld [tilespmem:s15+$0x7A00]  }
0x135: {  	v1 =	vadd.f32 v1, v0;
	v6 =	vld.idx.msk [tilespmem:v6+s2+$0x0], $0xffff  }
0x136: {  	v0 =	vld [tilespmem:s15+$0x7A80]  }
0x137: {  	v2 =	vadd.f32 v2, v1;
	v7 =	vld.idx.msk [tilespmem:v5+s2+$0x0], $0xffff  }
0x138: {  	v1 =	vld [tilespmem:s15+$0x7B00]  }
.Ltmp0:
0x139: {  	v3 =	vadd.f32 v3, v2;
	v4 =	vld.idx.msk [tilespmem:v4+s2+$0x0], $0xffff;
	(pc) =	sbr.rel @p0 .LBB2_2-.Ltmp0, $4  }
0x13a: {  	v2 =	vld [tilespmem:s15+$0x8780]  }
0x13b: {  	s16 =	sadd.s32 $0x80, s16;
	v6 =	vadd.f32 v6, v3;
	v5 =	vld.idx.msk [tilespmem:v8+s2+$0x0], $0xffff  }
0x13c: {  	s18 =	sand.u32 $0x70, s17;
	s19 =	sand.u32 $0xC00, s16;
	v3 =	vld [tilespmem:s15+$0x8800]  }
0x13d: {  	s17 =	sadd.s32 $0x10, s17;
	s15 =	sor.u32 s18, s19;
	v7 =	vadd.f32 v7, v6;
	v6 =	vld.idx.msk [tilespmem:v9+s2+$0x0], $0xffff  }
0x13e: {  	v8 =	vld [tilespmem:s15+$0x2780];
	_ =	sdelay $0x1  }
0x13f: {  	v9 =	vld [tilespmem:s15+$0x2800];
	_ =	sdelay $0x1  }
0x140: {  	v10 =	vld [tilespmem:s15+$0x2880];
	_ =	sdelay $0x1  }
0x141: {  	v11 =	vld [tilespmem:s15+$0x2900]  }
0x142: {  	v12 =	vld [tilespmem:s15+$0x2980]  }
0x143: {  	v8 =	vld.idx.msk [tilespmem:v8+s2+$0x0], $0xffff  }
0x144: {  	v13 =	vld [tilespmem:s15+$0x2A00]  }
0x145: {  	v9 =	vld.idx.msk [tilespmem:v9+s2+$0x0], $0xffff  }
0x146: {  	v14 =	vld [tilespmem:s15+$0x2A80]  }
0x147: {  	v10 =	vld.idx.msk [tilespmem:v10+s2+$0x0], $0xffff  }
0x148: {  	v15 =	vld [tilespmem:s15+$0x2B00];
	v8 =	vadd.f32 $0.0e+00, v8  }
0x149: {  	v11 =	vld.idx.msk [tilespmem:v11+s2+$0x0], $0xffff  }
0x14a: {  	v62 =	vld [tilespmem:s15+$0x3780];
	v8 =	vadd.f32 v9, v8  }
0x14b: {  	v12 =	vld.idx.msk [tilespmem:v12+s2+$0x0], $0xffff  }
0x14c: {  	v63 =	vld [tilespmem:s15+$0x3800];
	v8 =	vadd.f32 v10, v8  }
0x14d: {  	v13 =	vld.idx.msk [tilespmem:v13+s2+$0x0], $0xffff  }
0x14e: {  	v18 =	vld [tilespmem:s15+$0x3880];
	v8 =	vadd.f32 v11, v8  }
0x14f: {  	v14 =	vld.idx.msk [tilespmem:v14+s2+$0x0], $0xffff  }
0x150: {  	v19 =	vld [tilespmem:s15+$0x3900];
	v8 =	vadd.f32 v12, v8  }
0x151: {  	v15 =	vld.idx.msk [tilespmem:v15+s2+$0x0], $0xffff  }
0x152: {  	v20 =	vld [tilespmem:s15+$0x3980];
	v8 =	vadd.f32 v13, v8  }
0x153: {  	v9 =	vld.idx.msk [tilespmem:v62+s2+$0x0], $0xffff  }
0x154: {  	v21 =	vld [tilespmem:s15+$0x3A00];
	v8 =	vadd.f32 v14, v8  }
0x155: {  	v10 =	vld.idx.msk [tilespmem:v63+s2+$0x0], $0xffff  }
0x156: {  	v22 =	vld [tilespmem:s15+$0x3A80];
	v8 =	vadd.f32 v15, v8  }
0x157: {  	v11 =	vld.idx.msk [tilespmem:v18+s2+$0x0], $0xffff  }
0x158: {  	v23 =	vld [tilespmem:s15+$0x3B00];
	v8 =	vadd.f32 v9, v8  }
0x159: {  	v12 =	vld.idx.msk [tilespmem:v19+s2+$0x0], $0xffff  }
0x15a: {  	v24 =	vld [tilespmem:s15+$0x4780];
	v8 =	vadd.f32 v10, v8  }
0x15b: {  	v13 =	vld.idx.msk [tilespmem:v20+s2+$0x0], $0xffff  }
0x15c: {  	v25 =	vld [tilespmem:s15+$0x4800];
	v8 =	vadd.f32 v11, v8  }
0x15d: {  	v14 =	vld.idx.msk [tilespmem:v21+s2+$0x0], $0xffff  }
0x15e: {  	v26 =	vld [tilespmem:s15+$0x4880];
	v8 =	vadd.f32 v12, v8  }
0x15f: {  	v15 =	vld.idx.msk [tilespmem:v22+s2+$0x0], $0xffff  }
0x160: {  	v27 =	vld [tilespmem:s15+$0x4900];
	v8 =	vadd.f32 v13, v8  }
0x161: {  	v9 =	vld.idx.msk [tilespmem:v23+s2+$0x0], $0xffff  }
0x162: {  	v28 =	vld [tilespmem:s15+$0x4980];
	v8 =	vadd.f32 v14, v8  }
0x163: {  	v10 =	vld.idx.msk [tilespmem:v24+s2+$0x0], $0xffff  }
0x164: {  	v29 =	vld [tilespmem:s15+$0x4A00];
	v8 =	vadd.f32 v15, v8  }
0x165: {  	v11 =	vld.idx.msk [tilespmem:v25+s2+$0x0], $0xffff  }
0x166: {  	v30 =	vld [tilespmem:s15+$0x4A80];
	v8 =	vadd.f32 v9, v8  }
0x167: {  	v12 =	vld.idx.msk [tilespmem:v26+s2+$0x0], $0xffff  }
0x168: {  	v31 =	vld [tilespmem:s15+$0x4B00];
	v8 =	vadd.f32 v10, v8  }
0x169: {  	v13 =	vld.idx.msk [tilespmem:v27+s2+$0x0], $0xffff  }
0x16a: {  	v32 =	vld [tilespmem:s15+$0x5780];
	v8 =	vadd.f32 v11, v8  }
0x16b: {  	v14 =	vld.idx.msk [tilespmem:v28+s2+$0x0], $0xffff  }
0x16c: {  	v33 =	vld [tilespmem:s15+$0x5800];
	v8 =	vadd.f32 v12, v8  }
0x16d: {  	v15 =	vld.idx.msk [tilespmem:v29+s2+$0x0], $0xffff  }
0x16e: {  	v34 =	vld [tilespmem:s15+$0x5880];
	v8 =	vadd.f32 v13, v8  }
0x16f: {  	v9 =	vld.idx.msk [tilespmem:v30+s2+$0x0], $0xffff  }
0x170: {  	v35 =	vld [tilespmem:s15+$0x5900];
	v8 =	vadd.f32 v14, v8  }
0x171: {  	v10 =	vld.idx.msk [tilespmem:v31+s2+$0x0], $0xffff  }
0x172: {  	v36 =	vld [tilespmem:s15+$0x5980];
	v8 =	vadd.f32 v15, v8  }
0x173: {  	v11 =	vld.idx.msk [tilespmem:v32+s2+$0x0], $0xffff  }
0x174: {  	v37 =	vld [tilespmem:s15+$0x5A00];
	v8 =	vadd.f32 v9, v8  }
0x175: {  	v12 =	vld.idx.msk [tilespmem:v33+s2+$0x0], $0xffff  }
0x176: {  	v38 =	vld [tilespmem:s15+$0x5A80];
	v8 =	vadd.f32 v10, v8  }
0x177: {  	v13 =	vld.idx.msk [tilespmem:v34+s2+$0x0], $0xffff  }
0x178: {  	v39 =	vld [tilespmem:s15+$0x5B00];
	v8 =	vadd.f32 v11, v8  }
0x179: {  	v14 =	vld.idx.msk [tilespmem:v35+s2+$0x0], $0xffff  }
0x17a: {  	v40 =	vld [tilespmem:s15+$0x6780];
	v8 =	vadd.f32 v12, v8  }
0x17b: {  	v15 =	vld.idx.msk [tilespmem:v36+s2+$0x0], $0xffff  }
0x17c: {  	v41 =	vld [tilespmem:s15+$0x6800];
	v8 =	vadd.f32 v13, v8  }
0x17d: {  	v9 =	vld.idx.msk [tilespmem:v37+s2+$0x0], $0xffff  }
0x17e: {  	v42 =	vld [tilespmem:s15+$0x6880];
	v8 =	vadd.f32 v14, v8  }
0x17f: {  	v10 =	vld.idx.msk [tilespmem:v38+s2+$0x0], $0xffff  }
0x180: {  	v43 =	vld [tilespmem:s15+$0x6900];
	v8 =	vadd.f32 v15, v8  }
0x181: {  	v11 =	vld.idx.msk [tilespmem:v39+s2+$0x0], $0xffff  }
0x182: {  	v44 =	vld [tilespmem:s15+$0x6980];
	v8 =	vadd.f32 v9, v8  }
0x183: {  	v12 =	vld.idx.msk [tilespmem:v40+s2+$0x0], $0xffff  }
0x184: {  	v45 =	vld [tilespmem:s15+$0x6A00];
	v8 =	vadd.f32 v10, v8  }
0x185: {  	v13 =	vld.idx.msk [tilespmem:v41+s2+$0x0], $0xffff  }
0x186: {  	v46 =	vld [tilespmem:s15+$0x6A80];
	v8 =	vadd.f32 v11, v8  }
0x187: {  	v14 =	vld.idx.msk [tilespmem:v42+s2+$0x0], $0xffff  }
0x188: {  	v47 =	vld [tilespmem:s15+$0x6B00];
	v8 =	vadd.f32 v12, v8  }
0x189: {  	v15 =	vld.idx.msk [tilespmem:v43+s2+$0x0], $0xffff  }
0x18a: {  	v48 =	vld [tilespmem:s15+$0x7780];
	v8 =	vadd.f32 v13, v8  }
0x18b: {  	v9 =	vld.idx.msk [tilespmem:v44+s2+$0x0], $0xffff  }
0x18c: {  	v49 =	vld [tilespmem:s15+$0x7800];
	v8 =	vadd.f32 v14, v8  }
0x18d: {  	v10 =	vld.idx.msk [tilespmem:v45+s2+$0x0], $0xffff  }
0x18e: {  	v50 =	vld [tilespmem:s15+$0x7880];
	v8 =	vadd.f32 v15, v8  }
0x18f: {  	v11 =	vld.idx.msk [tilespmem:v46+s2+$0x0], $0xffff  }
0x190: {  	v51 =	vld [tilespmem:s15+$0x7900];
	v8 =	vadd.f32 v9, v8  }
0x191: {  	v12 =	vld.idx.msk [tilespmem:v47+s2+$0x0], $0xffff  }
0x192: {  	v52 =	vld [tilespmem:s15+$0x7980];
	v8 =	vadd.f32 v10, v8  }
0x193: {  	v13 =	vld.idx.msk [tilespmem:v48+s2+$0x0], $0xffff  }
0x194: {  	v53 =	vld [tilespmem:s15+$0x7A00];
	v8 =	vadd.f32 v11, v8  }
0x195: {  	v14 =	vld.idx.msk [tilespmem:v49+s2+$0x0], $0xffff  }
0x196: {  	v54 =	vld [tilespmem:s15+$0x7A80];
	v8 =	vadd.f32 v12, v8  }
0x197: {  	v15 =	vld.idx.msk [tilespmem:v50+s2+$0x0], $0xffff  }
0x198: {  	v55 =	vld [tilespmem:s15+$0x7B00];
	v8 =	vadd.f32 v13, v8  }
0x199: {  	v9 =	vld.idx.msk [tilespmem:v51+s2+$0x0], $0xffff  }
0x19a: {  	v56 =	vld [tilespmem:s15+$0x8780];
	v8 =	vadd.f32 v14, v8  }
0x19b: {  	v10 =	vld.idx.msk [tilespmem:v52+s2+$0x0], $0xffff  }
0x19c: {  	v57 =	vld [tilespmem:s15+$0x8800];
	v8 =	vadd.f32 v15, v8  }
0x19d: {  	v4 =	vadd.f32 v4, v7;
	v58 =	vld.idx.msk [tilespmem:v53+s2+$0x0], $0xffff  }
0x19e: {  	v0 =	vld.idx.msk [tilespmem:v0+s2+$0x0], $0xffff;
	v8 =	vadd.f32 v9, v8  }
0x19f: {  	v4 =	vadd.f32 v5, v4;
	v59 =	vld.idx.msk [tilespmem:v54+s2+$0x0], $0xffff  }
0x1a0: {  	v1 =	vld.idx.msk [tilespmem:v1+s2+$0x0], $0xffff;
	v8 =	vadd.f32 v10, v8  }
0x1a1: {  	v4 =	vadd.f32 v6, v4;
	v60 =	vld.idx.msk [tilespmem:v55+s2+$0x0], $0xffff  }
0x1a2: {  	v2 =	vld.idx.msk [tilespmem:v2+s2+$0x0], $0xffff;
	v7 =	vadd.f32 v58, v8  }
0x1a3: {  	v0 =	vadd.f32 v0, v4;
	v61 =	vld.idx.msk [tilespmem:v56+s2+$0x0], $0xffff  }
0x1a4: {  	v3 =	vld.idx.msk [tilespmem:v3+s2+$0x0], $0xffff;
	v5 =	vadd.f32 v59, v7  }
0x1a5: {  	v0 =	vadd.f32 v1, v0;
	v62 =	vld.idx.msk [tilespmem:v57+s2+$0x0], $0xffff  }
0x1a6: {  	v5 =	vadd.f32 v60, v5  }
0x1a7: {  	v0 =	vadd.f32 v2, v0  }
0x1a8: {  	v63 =	vadd.f32 v61, v5  }
0x1a9: {  	v0 =	vadd.f32 v3, v0  }
0x1aa: {  	s14 =	sadd.s32 $0x10, s14;
	s13 =	sadd.s32 $0x1, s13;
	v1 =	vadd.f32 v62, v63  }
0x1ab: {  	p0 =	sne.s32 s13, s6;
	[tilespmem:s14+$0x0] =	vst v0;
	s14 =	sadd.s32 $0x10, s14  }
.Ltmp1:
0x1ac: {  	[tilespmem:s14+$0x0] =	vst v1;
	(pc) =	sbr.rel @p0 .LBB2_1-.Ltmp1, $4  }
0x1ad: {  	[hbm4b:s5+s2] =	stream.linear.scatter [tilespmem:s12], [sflag:$0x2], $0x200, $0x38;
	[tilespmem:$0x9980] =	vst v63  }
0x1ae: {  	_ =	swait.ge [sflag:s10], $0x200  }
0x1af: {  	[sflag:s10] =	ssyncset.done $0x0  }
0x1b0: {  	[sflag:s10] =	ssyncadd.s32 $0xFFFFFE00  }
0x1b1: {  	_ =	sfence.sel $0x180000  }
0x1b2: {  	[bflag:$0x0] =	sbarrier.arrive $0xFFFF  }
0x1b3: {  	p0 =	sne.s32 s1, $0x0;
	_ =	strace $0x90000047  }
0x1b4: {  	s0 =	sadd.s32 @!p0 $0x100000, s0;
	[bflag:$0x2] =	sbarrier.arrive $0xFFFF  }
0x1b5: {  	[sflag:s0] =	ssyncadd.tile.s32 @!p0 $0x1;
	_ =	shalt  }
.Lfunc_end2:
_tile_overlayer_lowered:
.L_overlay_start_2:
0x1b6: {  	(tag) =	ssettag $0x2  }
0x1b7: {  	s0 =	rddreg [dreg:$0x0];
	s2 =	stileid.u32  }
0x1b8: {  	s1 =	rddreg [dreg:$0x1];
	p0 =	sne.s32 s2, $0x0  }
0x1b9: {  	s3 =	rddreg [dreg:$0x2];
	[bflag:$0x3] =	sbarrier.arrive $0xFFFF;
	s2 =	simm.s32 @!p0 $0x1C02  }
0x1ba: {  	[timem:s3], [sflag:s2] =	dma.local @!p0 [hbm:s0], s1  }
0x1bb: {  	s0 =	simm.s32 @!p0 $0x2  }
0x1bc: {  	_ =	swait.ge @!p0 [sflag:s0], s1  }
0x1bd: {  	s1 =	ssub.s32 @!p0 $0x0, s1;
	[sflag:s0] =	ssyncset.done @!p0 $0x0  }
0x1be: {  	[sflag:s0] =	ssyncadd.s32 @!p0 s1  }
0x1bf: {  	[bflag:$0x3] =	sbarrier.arrive $0xFFFF  }
0x1c0: {  	_ =	shalt  }

</sc_bundles>
